<compile_context>
chip_gen: v7x
topology: tpu7x:2x2x1
jax: 0.10.2.dev20260603
libtpu: 0.0.44.dev20260713+nightly
codegen_flags: <defaults>
</compile_context>

<pallas_src>
import functools

import jax
import jax.numpy as jnp
from jax import lax
from jax.experimental import pallas as pl
from jax.experimental.pallas import tpu as pltpu
from jax.experimental.pallas import tpu_sc as plsc

B, T = 8, 2048
K, CDIM, OUT_DIM = 1024, 1024, 768
N_TOK = B * T
HALF = OUT_DIM // 2
B_SC = 4
B_TC = B - B_SC
TOK_SC = B_SC * T

_K_BLK = K // 2


def _proj_body(cent_ref, w_ref, b_ref, packed_ref, p16_ref):
    p = lax.dot_general(
        cent_ref[...].astype(jnp.bfloat16), w_ref[...].astype(jnp.bfloat16),
        dimension_numbers=(((1,), (1,)), ((), ())),
        preferred_element_type=jnp.float32,
    ) + b_ref[...]
    pb = p.astype(jnp.bfloat16)
    lo = lax.bitcast_convert_type(pb[:, :HALF], jnp.int16)
    hi = lax.bitcast_convert_type(pb[:, HALF:], jnp.int16)
    packed_ref[...] = (lo.astype(jnp.int32) & 0xFFFF) | (hi.astype(jnp.int32) << 16)
    p16_ref[...] = pb


def _project(centroids, W, b):
    return pl.pallas_call(
        _proj_body,
        grid=(K // _K_BLK,),
        in_specs=[
            pl.BlockSpec((_K_BLK, CDIM), lambda i: (i, 0)),
            pl.BlockSpec((OUT_DIM, CDIM), lambda i: (0, 0)),
            pl.BlockSpec((OUT_DIM,), lambda i: (0,)),
        ],
        out_specs=[
            pl.BlockSpec((_K_BLK, HALF), lambda i: (i, 0)),
            pl.BlockSpec((_K_BLK, OUT_DIM), lambda i: (i, 0)),
        ],
        out_shape=[
            jax.ShapeDtypeStruct((K, HALF), jnp.int32),
            jax.ShapeDtypeStruct((K, OUT_DIM), jnp.bfloat16),
        ],
        compiler_params=pltpu.CompilerParams(
            dimension_semantics=("parallel",)),
    )(centroids, W, b)


_NC, _NS = 2, 16
_NW = _NC * _NS
_ROWS_PER_W = TOK_SC // _NW
_CHUNK = 64
_NCHUNK = _ROWS_PER_W // _CHUNK


def _gather_kernel(table_hbm, idx_hbm, out_hbm, idx_v, *scratch):
    bufs = scratch[:_NCHUNK]
    rsems = scratch[_NCHUNK:2 * _NCHUNK]
    wsems = scratch[2 * _NCHUNK:]
    wid = lax.axis_index("s") * _NC + lax.axis_index("c")
    base = wid * _ROWS_PER_W
    pltpu.sync_copy(idx_hbm.at[base // T, pl.ds(base % T, _ROWS_PER_W)], idx_v)
    reads = [
        pltpu.async_copy(
            table_hbm.at[idx_v.at[pl.ds(k * _CHUNK, _CHUNK)]],
            bufs[k], rsems[k])
        for k in range(_NCHUNK)
    ]
    writes = []
    for k in range(_NCHUNK):
        reads[k].wait()
        writes.append(pltpu.async_copy(
            bufs[k], out_hbm.at[pl.ds(base + k * _CHUNK, _CHUNK)], wsems[k]))
    for w in writes:
        w.wait()


def _gather(table, codes):
    mesh = plsc.VectorSubcoreMesh(core_axis_name="c", subcore_axis_name="s")
    return pl.kernel(
        _gather_kernel,
        mesh=mesh,
        out_type=jax.ShapeDtypeStruct((TOK_SC, HALF), jnp.int32),
        scratch_types=(
            [pltpu.VMEM((_ROWS_PER_W,), jnp.int32)]
            + [pltpu.VMEM((_CHUNK, HALF), jnp.int32)] * _NCHUNK
            + [pltpu.SemaphoreType.DMA] * (2 * _NCHUNK)
        ),
    )(table, codes)


_OUT_SHAPE = jax.ShapeDtypeStruct((B, OUT_DIM, T), jnp.float32)


_T_TILE = 256
_NT = T // _T_TILE


def _onehot_body(codes_ref, p_ref, o_ref):
    b = pl.program_id(0) + B_SC
    iota = lax.broadcasted_iota(jnp.int32, (K, _T_TILE), 0)
    for t in range(_NT):
        cb = codes_ref[b, pl.ds(t * _T_TILE, _T_TILE)]
        oh = (iota == cb[None, :]).astype(jnp.bfloat16)
        o_ref[0, :, pl.ds(t * _T_TILE, _T_TILE)] = lax.dot_general(
            p_ref[...], oh,
            dimension_numbers=(((0,), (0,)), ((), ())),
            preferred_element_type=jnp.float32,
        )


def _onehot(codes, p16):
    return pl.pallas_call(
        _onehot_body,
        grid=(B_TC,),
        in_specs=[
            pl.BlockSpec((B, T), lambda i: (0, 0)),
            pl.BlockSpec((K, OUT_DIM), lambda i: (0, 0)),
        ],
        out_specs=pl.BlockSpec((1, OUT_DIM, T), lambda i: (i + B_SC, 0, 0)),
        out_shape=_OUT_SHAPE,
        compiler_params=pltpu.CompilerParams(
            dimension_semantics=("arbitrary",)),
    )(codes, p16)


def _unpack(words):
    lo16 = ((words << 16) >> 16).astype(jnp.int16)
    return lax.bitcast_convert_type(lo16, jnp.bfloat16).astype(jnp.float32)


def _tpose_body(prev_ref, g_ref, o_ref):
    del prev_ref
    gt = g_ref[...].T
    o_ref[0, :HALF] = _unpack(gt)
    o_ref[0, HALF:] = _unpack(gt >> 16)


def _transpose(prev, g):
    return pl.pallas_call(
        _tpose_body,
        grid=(B_SC,),
        in_specs=[
            pl.BlockSpec(memory_space=pl.ANY),
            pl.BlockSpec((T, HALF), lambda i: (i, 0)),
        ],
        out_specs=pl.BlockSpec((1, OUT_DIM, T), lambda i: (i, 0, 0)),
        out_shape=_OUT_SHAPE,
        input_output_aliases={0: 0},
        compiler_params=pltpu.CompilerParams(
            dimension_semantics=("parallel",)),
    )(prev, g)


def kernel(c, centroids, W, b):
    packed, p16 = _project(centroids, W, b)
    codes = c.astype(jnp.int32)
    g = _gather(packed, codes)
    out = _onehot(codes, p16)
    return _transpose(out, g)

# --- scband reference (transcript-rebuilt; emitter-appended) ---
"""Pipeline reference for scband-lookup-table-88742614270539 (READ-ONLY COPY).

The authoritative reference and input builder live on the scoring server;
editing this copy changes nothing except your own understanding.
"""

import jax, jax.numpy as jnp
import numpy as np

B, T = 8, 2048
K, CDIM, OUT_DIM = 1024, 1024, 768

def setup_inputs(seed: int = 0) -> dict:
    key = jax.random.key(seed)
    k1, k2, k3, k4 = jax.random.split(key, 4)
    c = jax.random.randint(k1, (B, T), 0, K, dtype=jnp.int64) if jax.config.jax_enable_x64 else jax.random.randint(k1, (B, T), 0, K, dtype=jnp.int32)
    centroids = jax.random.normal(k2, (K, CDIM), dtype=jnp.float32)
    # torch nn.Linear weight layout: [out_features, in_features]
    bound = 1.0 / np.sqrt(CDIM)
    W = jax.random.uniform(k3, (OUT_DIM, CDIM), dtype=jnp.float32, minval=-bound, maxval=bound)
    b = jax.random.uniform(k4, (OUT_DIM,), dtype=jnp.float32, minval=-bound, maxval=bound)
    return {"c": c, "centroids": centroids, "W": W, "b": b}

def reference(c, centroids, W, b):
    # x = self.centroids[c]  -> gather rows of codebook
    x = jnp.take(centroids, c, axis=0)            # [B, T, CDIM]
    # x = self.projection(x)
    x = jnp.einsum('btc,oc->bto', x, W) + b       # [B, T, OUT_DIM]
    # .permute(0, 2, 1)
    x = jnp.transpose(x, (0, 2, 1))               # [B, OUT_DIM, T]
    # scale_factor is None (codes_hop_size == ar_tokens_hop_size), so no interpolate
    return x

if __name__ == "__main__":
    import jax
    _d = setup_inputs()
    print(jax.jit(kernel)(*tuple(_d.values())))

</pallas_src>

<mosaic_0001>
#map = affine_map<(d0, d1) -> (0, 0)>
module attributes {stable_mosaic.version = 14 : i64} {
  func.func @_gather_kernel(%arg0: i32, %arg1: i32, %arg2: memref<1024x384xi32, #tpu.memory_space<hbm>>, %arg3: memref<8x2048xi32, #tpu.memory_space<hbm>>, %arg4: memref<8192x384xi32, #tpu.memory_space<hbm>>, %arg5: memref<256xi32, #tpu.memory_space<vmem>>, %arg6: memref<64x384xi32, #tpu.memory_space<vmem>>, %arg7: memref<64x384xi32, #tpu.memory_space<vmem>>, %arg8: memref<64x384xi32, #tpu.memory_space<vmem>>, %arg9: memref<64x384xi32, #tpu.memory_space<vmem>>, %arg10: memref<!tpu.dma_semaphore, #tpu.memory_space<semaphore_mem>>, %arg11: memref<!tpu.dma_semaphore, #tpu.memory_space<semaphore_mem>>, %arg12: memref<!tpu.dma_semaphore, #tpu.memory_space<semaphore_mem>>, %arg13: memref<!tpu.dma_semaphore, #tpu.memory_space<semaphore_mem>>, %arg14: memref<!tpu.dma_semaphore, #tpu.memory_space<semaphore_mem>>, %arg15: memref<!tpu.dma_semaphore, #tpu.memory_space<semaphore_mem>>, %arg16: memref<!tpu.dma_semaphore, #tpu.memory_space<semaphore_mem>>, %arg17: memref<!tpu.dma_semaphore, #tpu.memory_space<semaphore_mem>>) attributes {dimension_semantics = [#tpu.dimension_semantics<core_parallel>, #tpu.dimension_semantics<subcore_parallel>], iteration_bounds = array<i64: 2, 16>, scalar_prefetch = 0 : i64, scratch_operands = 13 : i64, tpu.core_type = #tpu.core_type<sc_vector_subcore>, window_params = [{transform_indices = #map}, {transform_indices = #map}, {transform_indices = #map}]} {
    %mul3A = arith.constant 2 : i32
    %mul3A_0 = arith.muli %arg1, %mul3A : i32
    %add3A = arith.addi %mul3A_0, %arg0 : i32
    %mul3A_1 = arith.constant 256 : i32
    %mul3A_2 = arith.muli %add3A, %mul3A_1 : i32
    %jit3A = arith.constant 2048 : i32
    %div3A = arith.divsi %mul3A_2, %jit3A : i32
    %sign3A = arith.constant 0 : i32
    %sign3A_3 = arith.cmpi sgt, %mul3A_2, %sign3A : i32
    %sign3A_4 = arith.extui %sign3A_3 : i1 to i32
    %sign3A_5 = arith.constant 0 : i32
    %sign3A_6 = arith.cmpi slt, %mul3A_2, %sign3A_5 : i32
    %sign3A_7 = arith.extui %sign3A_6 : i1 to i32
    %sign3A_8 = arith.subi %sign3A_4, %sign3A_7 : i32
    %sign3A_9 = arith.constant 0 : i32
    %sign3A_10 = arith.cmpi sgt, %jit3A, %sign3A_9 : i32
    %sign3A_11 = arith.extui %sign3A_10 : i1 to i32
    %sign3A_12 = arith.constant 0 : i32
    %sign3A_13 = arith.cmpi slt, %jit3A, %sign3A_12 : i32
    %sign3A_14 = arith.extui %sign3A_13 : i1 to i32
    %sign3A_15 = arith.subi %sign3A_11, %sign3A_14 : i32
    %ne3A = arith.cmpi ne, %sign3A_8, %sign3A_15 : i32
    %rem3A = arith.remsi %mul3A_2, %jit3A : i32
    %ne3A_16 = arith.constant 0 : i32
    %ne3A_17 = arith.cmpi ne, %rem3A, %ne3A_16 : i32
    %and3A = arith.andi %ne3A, %ne3A_17 : i1
    %sub3A = arith.constant 1 : i32
    %sub3A_18 = arith.subi %div3A, %sub3A : i32
    %select_n3A = arith.select %and3A, %sub3A_18, %div3A : i32
    %jit3A_19 = arith.constant 2048 : i32
    %eq3A = arith.constant 0 : i32
    %eq3A_20 = arith.cmpi eq, %jit3A_19, %eq3A : i32
    %jit3A_21 = arith.constant 1 : i32
    %select_n3A_22 = arith.select %eq3A_20, %jit3A_21, %jit3A_19 : i32
    %rem3A_23 = arith.remsi %mul3A_2, %select_n3A_22 : i32
    %ne3A_24 = arith.constant 0 : i32
    %ne3A_25 = arith.cmpi ne, %rem3A_23, %ne3A_24 : i32
    %lt3A = arith.constant 0 : i32
    %lt3A_26 = arith.cmpi slt, %rem3A_23, %lt3A : i32
    %lt3A_27 = arith.constant 0 : i32
    %lt3A_28 = arith.cmpi slt, %select_n3A_22, %lt3A_27 : i32
    %ne3A_29 = arith.xori %lt3A_26, %lt3A_28 : i1
    %and3A_30 = arith.andi %ne3A_29, %ne3A_25 : i1
    %add3A_31 = arith.addi %rem3A_23, %select_n3A_22 : i32
    %select_n3A_32 = arith.select %and3A_30, %add3A_31, %rem3A_23 : i32
    "tpu.region"() ({
      %run_scoped3A = tpu.sem_alloc : memref<!tpu.dma_semaphore, #tpu.memory_space<semaphore_mem>>
      %dma_start3A_111 = tpu.memref_slice %arg3[%select_n3A, %select_n3A_32] : memref<8x2048xi32, #tpu.memory_space<hbm>> -> memref<1x256xi32, #tpu.memory_space<hbm>>
      %dma_start3A_112 = tpu.memref_squeeze %dma_start3A_111 : memref<1x256xi32, #tpu.memory_space<hbm>> -> memref<256xi32, #tpu.memory_space<hbm>>
      %dma_start3A_113 = tpu.memref_slice %arg3[%select_n3A, %select_n3A_32] : memref<8x2048xi32, #tpu.memory_space<hbm>> -> memref<1x256xi32, #tpu.memory_space<hbm>>
      %dma_start3A_114 = tpu.memref_squeeze %dma_start3A_113 : memref<1x256xi32, #tpu.memory_space<hbm>> -> memref<256xi32, #tpu.memory_space<hbm>>
      tpu.enqueue_dma source(%dma_start3A_114 : memref<256xi32, #tpu.memory_space<hbm>>) target(%arg5 : memref<256xi32, #tpu.memory_space<vmem>>) target_semaphore(%run_scoped3A : memref<!tpu.dma_semaphore, #tpu.memory_space<semaphore_mem>>)
      %dma_wait3A_115 = tpu.memref_slice %arg3[%select_n3A, %select_n3A_32] : memref<8x2048xi32, #tpu.memory_space<hbm>> -> memref<1x256xi32, #tpu.memory_space<hbm>>
      %dma_wait3A_116 = tpu.memref_squeeze %dma_wait3A_115 : memref<1x256xi32, #tpu.memory_space<hbm>> -> memref<256xi32, #tpu.memory_space<hbm>>
      %dma_wait3A_117 = tpu.memref_slice %arg3[%select_n3A, %select_n3A_32] : memref<8x2048xi32, #tpu.memory_space<hbm>> -> memref<1x256xi32, #tpu.memory_space<hbm>>
      %dma_wait3A_118 = tpu.memref_squeeze %dma_wait3A_117 : memref<1x256xi32, #tpu.memory_space<hbm>> -> memref<256xi32, #tpu.memory_space<hbm>>
      tpu.wait_dma2 semaphore(%run_scoped3A : memref<!tpu.dma_semaphore, #tpu.memory_space<semaphore_mem>>) src(%dma_wait3A_118 : memref<256xi32, #tpu.memory_space<hbm>>) dst(%arg5 : memref<256xi32, #tpu.memory_space<vmem>>)
      tpu.yield
    }) : () -> ()
    %dma_start3A = arith.constant 0 : i32
    %dma_start3A_33 = tpu.memref_slice %arg5[%dma_start3A] : memref<256xi32, #tpu.memory_space<vmem>> -> memref<64xi32, #tpu.memory_space<vmem>>
    %dma_start3A_34 = arith.constant 0 : i32
    %dma_start3A_35 = arith.constant 0 : i32
    %dma_start3A_36 = tpu.memref_slice %arg2[%dma_start3A_34, %dma_start3A_35] : memref<1024x384xi32, #tpu.memory_space<hbm>> -> memref<1024x384xi32, #tpu.memory_space<hbm>>
    tpu.enqueue_indirect_dma source(%dma_start3A_36 : memref<1024x384xi32, #tpu.memory_space<hbm>>) target(%arg6 : memref<64x384xi32, #tpu.memory_space<vmem>>) offsets(%dma_start3A_33 : memref<64xi32, #tpu.memory_space<vmem>>) semaphore(%arg10 : memref<!tpu.dma_semaphore, #tpu.memory_space<semaphore_mem>>)
    %dma_start3A_37 = arith.constant 64 : i32
    %dma_start3A_38 = tpu.memref_slice %arg5[%dma_start3A_37] : memref<256xi32, #tpu.memory_space<vmem>> -> memref<64xi32, #tpu.memory_space<vmem>>
    %dma_start3A_39 = arith.constant 0 : i32
    %dma_start3A_40 = arith.constant 0 : i32
    %dma_start3A_41 = tpu.memref_slice %arg2[%dma_start3A_39, %dma_start3A_40] : memref<1024x384xi32, #tpu.memory_space<hbm>> -> memref<1024x384xi32, #tpu.memory_space<hbm>>
    tpu.enqueue_indirect_dma source(%dma_start3A_41 : memref<1024x384xi32, #tpu.memory_space<hbm>>) target(%arg7 : memref<64x384xi32, #tpu.memory_space<vmem>>) offsets(%dma_start3A_38 : memref<64xi32, #tpu.memory_space<vmem>>) semaphore(%arg11 : memref<!tpu.dma_semaphore, #tpu.memory_space<semaphore_mem>>)
    %dma_start3A_42 = arith.constant 128 : i32
    %dma_start3A_43 = tpu.memref_slice %arg5[%dma_start3A_42] : memref<256xi32, #tpu.memory_space<vmem>> -> memref<64xi32, #tpu.memory_space<vmem>>
    %dma_start3A_44 = arith.constant 0 : i32
    %dma_start3A_45 = arith.constant 0 : i32
    %dma_start3A_46 = tpu.memref_slice %arg2[%dma_start3A_44, %dma_start3A_45] : memref<1024x384xi32, #tpu.memory_space<hbm>> -> memref<1024x384xi32, #tpu.memory_space<hbm>>
    tpu.enqueue_indirect_dma source(%dma_start3A_46 : memref<1024x384xi32, #tpu.memory_space<hbm>>) target(%arg8 : memref<64x384xi32, #tpu.memory_space<vmem>>) offsets(%dma_start3A_43 : memref<64xi32, #tpu.memory_space<vmem>>) semaphore(%arg12 : memref<!tpu.dma_semaphore, #tpu.memory_space<semaphore_mem>>)
    %dma_start3A_47 = arith.constant 192 : i32
    %dma_start3A_48 = tpu.memref_slice %arg5[%dma_start3A_47] : memref<256xi32, #tpu.memory_space<vmem>> -> memref<64xi32, #tpu.memory_space<vmem>>
    %dma_start3A_49 = arith.constant 0 : i32
    %dma_start3A_50 = arith.constant 0 : i32
    %dma_start3A_51 = tpu.memref_slice %arg2[%dma_start3A_49, %dma_start3A_50] : memref<1024x384xi32, #tpu.memory_space<hbm>> -> memref<1024x384xi32, #tpu.memory_space<hbm>>
    tpu.enqueue_indirect_dma source(%dma_start3A_51 : memref<1024x384xi32, #tpu.memory_space<hbm>>) target(%arg9 : memref<64x384xi32, #tpu.memory_space<vmem>>) offsets(%dma_start3A_48 : memref<64xi32, #tpu.memory_space<vmem>>) semaphore(%arg13 : memref<!tpu.dma_semaphore, #tpu.memory_space<semaphore_mem>>)
    %dma_wait3A = arith.constant 0 : i32
    %dma_wait3A_52 = tpu.memref_slice %arg5[%dma_wait3A] : memref<256xi32, #tpu.memory_space<vmem>> -> memref<64xi32, #tpu.memory_space<vmem>>
    %dma_wait3A_53 = arith.constant 0 : i32
    %dma_wait3A_54 = arith.constant 0 : i32
    %dma_wait3A_55 = tpu.memref_slice %arg2[%dma_wait3A_53, %dma_wait3A_54] : memref<1024x384xi32, #tpu.memory_space<hbm>> -> memref<1024x384xi32, #tpu.memory_space<hbm>>
    tpu.wait_indirect_dma semaphore(%arg10 : memref<!tpu.dma_semaphore, #tpu.memory_space<semaphore_mem>>) src(%dma_wait3A_55 : memref<1024x384xi32, #tpu.memory_space<hbm>>) dst(%arg6 : memref<64x384xi32, #tpu.memory_space<vmem>>)
    %add3A_56 = arith.constant 0 : i32
    %add3A_57 = arith.addi %mul3A_2, %add3A_56 : i32
    %dma_start3A_58 = arith.constant 0 : i32
    %dma_start3A_59 = tpu.memref_slice %arg4[%add3A_57, %dma_start3A_58] : memref<8192x384xi32, #tpu.memory_space<hbm>> -> memref<64x384xi32, #tpu.memory_space<hbm>>
    %dma_start3A_60 = arith.constant 0 : i32
    %dma_start3A_61 = tpu.memref_slice %arg4[%add3A_57, %dma_start3A_60] : memref<8192x384xi32, #tpu.memory_space<hbm>> -> memref<64x384xi32, #tpu.memory_space<hbm>>
    tpu.enqueue_dma source(%arg6 : memref<64x384xi32, #tpu.memory_space<vmem>>) target(%dma_start3A_61 : memref<64x384xi32, #tpu.memory_space<hbm>>) target_semaphore(%arg14 : memref<!tpu.dma_semaphore, #tpu.memory_space<semaphore_mem>>)
    %dma_wait3A_62 = arith.constant 64 : i32
    %dma_wait3A_63 = tpu.memref_slice %arg5[%dma_wait3A_62] : memref<256xi32, #tpu.memory_space<vmem>> -> memref<64xi32, #tpu.memory_space<vmem>>
    %dma_wait3A_64 = arith.constant 0 : i32
    %dma_wait3A_65 = arith.constant 0 : i32
    %dma_wait3A_66 = tpu.memref_slice %arg2[%dma_wait3A_64, %dma_wait3A_65] : memref<1024x384xi32, #tpu.memory_space<hbm>> -> memref<1024x384xi32, #tpu.memory_space<hbm>>
    tpu.wait_indirect_dma semaphore(%arg11 : memref<!tpu.dma_semaphore, #tpu.memory_space<semaphore_mem>>) src(%dma_wait3A_66 : memref<1024x384xi32, #tpu.memory_space<hbm>>) dst(%arg7 : memref<64x384xi32, #tpu.memory_space<vmem>>)
    %add3A_67 = arith.constant 64 : i32
    %add3A_68 = arith.addi %mul3A_2, %add3A_67 : i32
    %dma_start3A_69 = arith.constant 0 : i32
    %dma_start3A_70 = tpu.memref_slice %arg4[%add3A_68, %dma_start3A_69] : memref<8192x384xi32, #tpu.memory_space<hbm>> -> memref<64x384xi32, #tpu.memory_space<hbm>>
    %dma_start3A_71 = arith.constant 0 : i32
    %dma_start3A_72 = tpu.memref_slice %arg4[%add3A_68, %dma_start3A_71] : memref<8192x384xi32, #tpu.memory_space<hbm>> -> memref<64x384xi32, #tpu.memory_space<hbm>>
    tpu.enqueue_dma source(%arg7 : memref<64x384xi32, #tpu.memory_space<vmem>>) target(%dma_start3A_72 : memref<64x384xi32, #tpu.memory_space<hbm>>) target_semaphore(%arg15 : memref<!tpu.dma_semaphore, #tpu.memory_space<semaphore_mem>>)
    %dma_wait3A_73 = arith.constant 128 : i32
    %dma_wait3A_74 = tpu.memref_slice %arg5[%dma_wait3A_73] : memref<256xi32, #tpu.memory_space<vmem>> -> memref<64xi32, #tpu.memory_space<vmem>>
    %dma_wait3A_75 = arith.constant 0 : i32
    %dma_wait3A_76 = arith.constant 0 : i32
    %dma_wait3A_77 = tpu.memref_slice %arg2[%dma_wait3A_75, %dma_wait3A_76] : memref<1024x384xi32, #tpu.memory_space<hbm>> -> memref<1024x384xi32, #tpu.memory_space<hbm>>
    tpu.wait_indirect_dma semaphore(%arg12 : memref<!tpu.dma_semaphore, #tpu.memory_space<semaphore_mem>>) src(%dma_wait3A_77 : memref<1024x384xi32, #tpu.memory_space<hbm>>) dst(%arg8 : memref<64x384xi32, #tpu.memory_space<vmem>>)
    %add3A_78 = arith.constant 128 : i32
    %add3A_79 = arith.addi %mul3A_2, %add3A_78 : i32
    %dma_start3A_80 = arith.constant 0 : i32
    %dma_start3A_81 = tpu.memref_slice %arg4[%add3A_79, %dma_start3A_80] : memref<8192x384xi32, #tpu.memory_space<hbm>> -> memref<64x384xi32, #tpu.memory_space<hbm>>
    %dma_start3A_82 = arith.constant 0 : i32
    %dma_start3A_83 = tpu.memref_slice %arg4[%add3A_79, %dma_start3A_82] : memref<8192x384xi32, #tpu.memory_space<hbm>> -> memref<64x384xi32, #tpu.memory_space<hbm>>
    tpu.enqueue_dma source(%arg8 : memref<64x384xi32, #tpu.memory_space<vmem>>) target(%dma_start3A_83 : memref<64x384xi32, #tpu.memory_space<hbm>>) target_semaphore(%arg16 : memref<!tpu.dma_semaphore, #tpu.memory_space<semaphore_mem>>)
    %dma_wait3A_84 = arith.constant 192 : i32
    %dma_wait3A_85 = tpu.memref_slice %arg5[%dma_wait3A_84] : memref<256xi32, #tpu.memory_space<vmem>> -> memref<64xi32, #tpu.memory_space<vmem>>
    %dma_wait3A_86 = arith.constant 0 : i32
    %dma_wait3A_87 = arith.constant 0 : i32
    %dma_wait3A_88 = tpu.memref_slice %arg2[%dma_wait3A_86, %dma_wait3A_87] : memref<1024x384xi32, #tpu.memory_space<hbm>> -> memref<1024x384xi32, #tpu.memory_space<hbm>>
    tpu.wait_indirect_dma semaphore(%arg13 : memref<!tpu.dma_semaphore, #tpu.memory_space<semaphore_mem>>) src(%dma_wait3A_88 : memref<1024x384xi32, #tpu.memory_space<hbm>>) dst(%arg9 : memref<64x384xi32, #tpu.memory_space<vmem>>)
    %add3A_89 = arith.constant 192 : i32
    %add3A_90 = arith.addi %mul3A_2, %add3A_89 : i32
    %dma_start3A_91 = arith.constant 0 : i32
    %dma_start3A_92 = tpu.memref_slice %arg4[%add3A_90, %dma_start3A_91] : memref<8192x384xi32, #tpu.memory_space<hbm>> -> memref<64x384xi32, #tpu.memory_space<hbm>>
    %dma_start3A_93 = arith.constant 0 : i32
    %dma_start3A_94 = tpu.memref_slice %arg4[%add3A_90, %dma_start3A_93] : memref<8192x384xi32, #tpu.memory_space<hbm>> -> memref<64x384xi32, #tpu.memory_space<hbm>>
    tpu.enqueue_dma source(%arg9 : memref<64x384xi32, #tpu.memory_space<vmem>>) target(%dma_start3A_94 : memref<64x384xi32, #tpu.memory_space<hbm>>) target_semaphore(%arg17 : memref<!tpu.dma_semaphore, #tpu.memory_space<semaphore_mem>>)
    %dma_wait3A_95 = arith.constant 0 : i32
    %dma_wait3A_96 = tpu.memref_slice %arg4[%add3A_57, %dma_wait3A_95] : memref<8192x384xi32, #tpu.memory_space<hbm>> -> memref<64x384xi32, #tpu.memory_space<hbm>>
    %dma_wait3A_97 = arith.constant 0 : i32
    %dma_wait3A_98 = tpu.memref_slice %arg4[%add3A_57, %dma_wait3A_97] : memref<8192x384xi32, #tpu.memory_space<hbm>> -> memref<64x384xi32, #tpu.memory_space<hbm>>
    tpu.wait_dma2 semaphore(%arg14 : memref<!tpu.dma_semaphore, #tpu.memory_space<semaphore_mem>>) src(%arg6 : memref<64x384xi32, #tpu.memory_space<vmem>>) dst(%dma_wait3A_98 : memref<64x384xi32, #tpu.memory_space<hbm>>)
    %dma_wait3A_99 = arith.constant 0 : i32
    %dma_wait3A_100 = tpu.memref_slice %arg4[%add3A_68, %dma_wait3A_99] : memref<8192x384xi32, #tpu.memory_space<hbm>> -> memref<64x384xi32, #tpu.memory_space<hbm>>
    %dma_wait3A_101 = arith.constant 0 : i32
    %dma_wait3A_102 = tpu.memref_slice %arg4[%add3A_68, %dma_wait3A_101] : memref<8192x384xi32, #tpu.memory_space<hbm>> -> memref<64x384xi32, #tpu.memory_space<hbm>>
    tpu.wait_dma2 semaphore(%arg15 : memref<!tpu.dma_semaphore, #tpu.memory_space<semaphore_mem>>) src(%arg7 : memref<64x384xi32, #tpu.memory_space<vmem>>) dst(%dma_wait3A_102 : memref<64x384xi32, #tpu.memory_space<hbm>>)
    %dma_wait3A_103 = arith.constant 0 : i32
    %dma_wait3A_104 = tpu.memref_slice %arg4[%add3A_79, %dma_wait3A_103] : memref<8192x384xi32, #tpu.memory_space<hbm>> -> memref<64x384xi32, #tpu.memory_space<hbm>>
    %dma_wait3A_105 = arith.constant 0 : i32
    %dma_wait3A_106 = tpu.memref_slice %arg4[%add3A_79, %dma_wait3A_105] : memref<8192x384xi32, #tpu.memory_space<hbm>> -> memref<64x384xi32, #tpu.memory_space<hbm>>
    tpu.wait_dma2 semaphore(%arg16 : memref<!tpu.dma_semaphore, #tpu.memory_space<semaphore_mem>>) src(%arg8 : memref<64x384xi32, #tpu.memory_space<vmem>>) dst(%dma_wait3A_106 : memref<64x384xi32, #tpu.memory_space<hbm>>)
    %dma_wait3A_107 = arith.constant 0 : i32
    %dma_wait3A_108 = tpu.memref_slice %arg4[%add3A_90, %dma_wait3A_107] : memref<8192x384xi32, #tpu.memory_space<hbm>> -> memref<64x384xi32, #tpu.memory_space<hbm>>
    %dma_wait3A_109 = arith.constant 0 : i32
    %dma_wait3A_110 = tpu.memref_slice %arg4[%add3A_90, %dma_wait3A_109] : memref<8192x384xi32, #tpu.memory_space<hbm>> -> memref<64x384xi32, #tpu.memory_space<hbm>>
    tpu.wait_dma2 semaphore(%arg17 : memref<!tpu.dma_semaphore, #tpu.memory_space<semaphore_mem>>) src(%arg9 : memref<64x384xi32, #tpu.memory_space<vmem>>) dst(%dma_wait3A_110 : memref<64x384xi32, #tpu.memory_space<hbm>>)
    return
  }
}

module attributes {stable_mosaic.version = 14 : i64} {
  func.func @_tpose_body(%arg0: i32, %arg1: memref<8x768x2048xf32, #tpu.memory_space<any>>, %arg2: memref<2048x384xi32, #tpu.memory_space<vmem>>, %arg3: memref<1x768x2048xf32, #tpu.memory_space<vmem>>) attributes {dimension_semantics = [#tpu.dimension_semantics<parallel>], iteration_bounds = array<i64: 4>, scalar_prefetch = 0 : i64, scratch_operands = 0 : i64, tpu.core_type = #tpu.core_type<tc>, window_params = [{}, {transform_indices = @transform_1, window_bounds = array<i64: 2048, 384>}, {transform_indices = @transform_2, window_bounds = array<i64: 1, 768, 2048>}]} {
    %get3A = arith.constant 0 : index
    %get3A_0 = arith.constant 0 : index
    %get3A_1 = vector.load %arg2[%get3A, %get3A_0] : memref<2048x384xi32, #tpu.memory_space<vmem>>, vector<2048x384xi32>
    %transpose3A = tpu.transpose %get3A_1, [1, 0] : vector<2048x384xi32> -> vector<384x2048xi32>
    %shift_left3A = arith.constant 16 : i32
    %shift_left3A_2 = vector.broadcast %shift_left3A : i32 to vector<384x2048xi32>
    %shift_left3A_3 = arith.shli %transpose3A, %shift_left3A_2 : vector<384x2048xi32>
    %shift_right_arithmetic3A = arith.constant 16 : i32
    %shift_right_arithmetic3A_4 = vector.broadcast %shift_right_arithmetic3A : i32 to vector<384x2048xi32>
    %shift_right_arithmetic3A_5 = arith.shrsi %shift_left3A_3, %shift_right_arithmetic3A_4 : vector<384x2048xi32>
    %convert_element_type3A = arith.trunci %shift_right_arithmetic3A_5 : vector<384x2048xi32> to vector<384x2048xi16>
    %bitcast_convert_type3A = tpu.bitcast %convert_element_type3A : vector<384x2048xi16> -> vector<384x2048xbf16>
    %convert_element_type3A_6 = arith.extf %bitcast_convert_type3A : vector<384x2048xbf16> to vector<384x2048xf32>
    %swap3A = arith.constant 0 : index
    %swap3A_7 = arith.constant 0 : index
    %swap3A_8 = arith.constant 0 : index
    %swap3A_9 = vector.load %arg3[%swap3A, %swap3A_7, %swap3A_8] : memref<1x768x2048xf32, #tpu.memory_space<vmem>>, vector<1x384x2048xf32>
    %swap3A_10 = vector.shape_cast %swap3A_9 : vector<1x384x2048xf32> to vector<384x2048xf32>
    %swap3A_11 = vector.shape_cast %convert_element_type3A_6 : vector<384x2048xf32> to vector<1x384x2048xf32>
    tpu.vector_store %arg3[%swap3A, %swap3A_7, %swap3A_8], %swap3A_11 {strides = array<i32>} : memref<1x768x2048xf32, #tpu.memory_space<vmem>>, vector<1x384x2048xf32>,
    %shift_right_arithmetic3A_12 = arith.constant 16 : i32
    %shift_right_arithmetic3A_13 = vector.broadcast %shift_right_arithmetic3A_12 : i32 to vector<384x2048xi32>
    %shift_right_arithmetic3A_14 = arith.shrsi %transpose3A, %shift_right_arithmetic3A_13 : vector<384x2048xi32>
    %shift_left3A_15 = arith.constant 16 : i32
    %shift_left3A_16 = vector.broadcast %shift_left3A_15 : i32 to vector<384x2048xi32>
    %shift_left3A_17 = arith.shli %shift_right_arithmetic3A_14, %shift_left3A_16 : vector<384x2048xi32>
    %shift_right_arithmetic3A_18 = arith.constant 16 : i32
    %shift_right_arithmetic3A_19 = vector.broadcast %shift_right_arithmetic3A_18 : i32 to vector<384x2048xi32>
    %shift_right_arithmetic3A_20 = arith.shrsi %shift_left3A_17, %shift_right_arithmetic3A_19 : vector<384x2048xi32>
    %convert_element_type3A_21 = arith.trunci %shift_right_arithmetic3A_20 : vector<384x2048xi32> to vector<384x2048xi16>
    %bitcast_convert_type3A_22 = tpu.bitcast %convert_element_type3A_21 : vector<384x2048xi16> -> vector<384x2048xbf16>
    %convert_element_type3A_23 = arith.extf %bitcast_convert_type3A_22 : vector<384x2048xbf16> to vector<384x2048xf32>
    %swap3A_24 = arith.constant 0 : index
    %swap3A_25 = arith.constant 384 : index
    %swap3A_26 = arith.constant 0 : index
    %swap3A_27 = vector.load %arg3[%swap3A_24, %swap3A_25, %swap3A_26] : memref<1x768x2048xf32, #tpu.memory_space<vmem>>, vector<1x384x2048xf32>
    %swap3A_28 = vector.shape_cast %swap3A_27 : vector<1x384x2048xf32> to vector<384x2048xf32>
    %swap3A_29 = vector.shape_cast %convert_element_type3A_23 : vector<384x2048xf32> to vector<1x384x2048xf32>
    tpu.vector_store %arg3[%swap3A_24, %swap3A_25, %swap3A_26], %swap3A_29 {strides = array<i32>} : memref<1x768x2048xf32, #tpu.memory_space<vmem>>, vector<1x384x2048xf32>,
    return
  }
  func.func @transform_1(%arg0: i32) -> (i32, i32) {
    %c0_i32 = arith.constant 0 : i32
    %c0_i32_0 = arith.constant 0 : i32
    return %arg0, %c0_i32 : i32, i32
  }
  func.func @transform_2(%arg0: i32) -> (i32, i32, i32) {
    %c0_i32 = arith.constant 0 : i32
    %c0_i32_0 = arith.constant 0 : i32
    %c0_i32_1 = arith.constant 0 : i32
    return %arg0, %c0_i32, %c0_i32_0 : i32, i32, i32
  }
}

module attributes {stable_mosaic.version = 14 : i64} {
  func.func @_onehot_body(%arg0: i32, %arg1: memref<8x2048xi32, #tpu.memory_space<vmem>>, %arg2: memref<1024x768xbf16, #tpu.memory_space<vmem>>, %arg3: memref<1x768x2048xf32, #tpu.memory_space<vmem>>) attributes {dimension_semantics = [#tpu.dimension_semantics<arbitrary>], iteration_bounds = array<i64: 4>, scalar_prefetch = 0 : i64, scratch_operands = 0 : i64, tpu.core_type = #tpu.core_type<tc>, window_params = [{pipeline_mode = #tpu.pipeline_mode<synchronous>, transform_indices = @transform_0, window_bounds = array<i64: 8, 2048>}, {pipeline_mode = #tpu.pipeline_mode<synchronous>, transform_indices = @transform_1, window_bounds = array<i64: 1024, 768>}, {transform_indices = @transform_2, window_bounds = array<i64: 1, 768, 2048>}]} {
    %add3A = arith.constant 4 : i32
    %add3A_0 = arith.addi %arg0, %add3A : i32
    %iota3A = tpu.iota {dimensions = array<i32: 0>} : vector<1024x256xi32>
    %get3A = arith.index_cast %add3A_0 : i32 to index
    %get3A_1 = arith.constant 0 : index
    %get3A_2 = vector.load %arg1[%get3A, %get3A_1] : memref<8x2048xi32, #tpu.memory_space<vmem>>, vector<1x256xi32>
    %get3A_3 = vector.shape_cast %get3A_2 : vector<1x256xi32> to vector<256xi32>
    %broadcast_in_dim3A = vector.shape_cast %get3A_3 : vector<256xi32> to vector<1x256xi32>
    %eq3A = vector.broadcast %broadcast_in_dim3A : vector<1x256xi32> to vector<1024x256xi32>
    %eq3A_4 = arith.cmpi eq, %iota3A, %eq3A : vector<1024x256xi32>
    %convert_element_type3A = arith.extui %eq3A_4 : vector<1024x256xi1> to vector<1024x256xi32>
    %convert_element_type3A_5 = arith.sitofp %convert_element_type3A : vector<1024x256xi32> to vector<1024x256xf32>
    %convert_element_type3A_6 = arith.truncf %convert_element_type3A_5 : vector<1024x256xf32> to vector<1024x256xbf16>
    %get3A_7 = arith.constant 0 : index
    %get3A_8 = arith.constant 0 : index
    %get3A_9 = vector.load %arg2[%get3A_7, %get3A_8] : memref<1024x768xbf16, #tpu.memory_space<vmem>>, vector<1024x768xbf16>
    %dot_general3A = arith.constant dense<0.000000e+00> : vector<768x256xf32>
    %dot_general3A_10 = tpu.matmul %get3A_9, %convert_element_type3A_6, %dot_general3A {dimension_numbers = #tpu.dot_dimension_numbers<[0], [0], [1], [1], [0, 1, 1, 1], [], []>, transpose_lhs_hint = false} : vector<1024x768xbf16>, vector<1024x256xbf16>, vector<768x256xf32> -> vector<768x256xf32>
    %swap3A = arith.constant 0 : index
    %swap3A_11 = arith.constant 0 : index
    %swap3A_12 = arith.constant 0 : index
    %swap3A_13 = vector.load %arg3[%swap3A, %swap3A_11, %swap3A_12] : memref<1x768x2048xf32, #tpu.memory_space<vmem>>, vector<1x768x256xf32>
    %swap3A_14 = vector.shape_cast %swap3A_13 : vector<1x768x256xf32> to vector<768x256xf32>
    %swap3A_15 = vector.shape_cast %dot_general3A_10 : vector<768x256xf32> to vector<1x768x256xf32>
    tpu.vector_store %arg3[%swap3A, %swap3A_11, %swap3A_12], %swap3A_15 {strides = array<i32>} : memref<1x768x2048xf32, #tpu.memory_space<vmem>>, vector<1x768x256xf32>,
    %get3A_16 = arith.index_cast %add3A_0 : i32 to index
    %get3A_17 = arith.constant 256 : index
    %get3A_18 = vector.load %arg1[%get3A_16, %get3A_17] : memref<8x2048xi32, #tpu.memory_space<vmem>>, vector<1x256xi32>
    %get3A_19 = vector.shape_cast %get3A_18 : vector<1x256xi32> to vector<256xi32>
    %broadcast_in_dim3A_20 = vector.shape_cast %get3A_19 : vector<256xi32> to vector<1x256xi32>
    %eq3A_21 = vector.broadcast %broadcast_in_dim3A_20 : vector<1x256xi32> to vector<1024x256xi32>
    %eq3A_22 = arith.cmpi eq, %iota3A, %eq3A_21 : vector<1024x256xi32>
    %convert_element_type3A_23 = arith.extui %eq3A_22 : vector<1024x256xi1> to vector<1024x256xi32>
    %convert_element_type3A_24 = arith.sitofp %convert_element_type3A_23 : vector<1024x256xi32> to vector<1024x256xf32>
    %convert_element_type3A_25 = arith.truncf %convert_element_type3A_24 : vector<1024x256xf32> to vector<1024x256xbf16>
    %get3A_26 = arith.constant 0 : index
    %get3A_27 = arith.constant 0 : index
    %get3A_28 = vector.load %arg2[%get3A_26, %get3A_27] : memref<1024x768xbf16, #tpu.memory_space<vmem>>, vector<1024x768xbf16>
    %dot_general3A_29 = arith.constant dense<0.000000e+00> : vector<768x256xf32>
    %dot_general3A_30 = tpu.matmul %get3A_28, %convert_element_type3A_25, %dot_general3A_29 {dimension_numbers = #tpu.dot_dimension_numbers<[0], [0], [1], [1], [0, 1, 1, 1], [], []>, transpose_lhs_hint = false} : vector<1024x768xbf16>, vector<1024x256xbf16>, vector<768x256xf32> -> vector<768x256xf32>
    %swap3A_31 = arith.constant 0 : index
    %swap3A_32 = arith.constant 0 : index
    %swap3A_33 = arith.constant 256 : index
    %swap3A_34 = vector.load %arg3[%swap3A_31, %swap3A_32, %swap3A_33] : memref<1x768x2048xf32, #tpu.memory_space<vmem>>, vector<1x768x256xf32>
    %swap3A_35 = vector.shape_cast %swap3A_34 : vector<1x768x256xf32> to vector<768x256xf32>
    %swap3A_36 = vector.shape_cast %dot_general3A_30 : vector<768x256xf32> to vector<1x768x256xf32>
    tpu.vector_store %arg3[%swap3A_31, %swap3A_32, %swap3A_33], %swap3A_36 {strides = array<i32>} : memref<1x768x2048xf32, #tpu.memory_space<vmem>>, vector<1x768x256xf32>,
    %get3A_37 = arith.index_cast %add3A_0 : i32 to index
    %get3A_38 = arith.constant 512 : index
    %get3A_39 = vector.load %arg1[%get3A_37, %get3A_38] : memref<8x2048xi32, #tpu.memory_space<vmem>>, vector<1x256xi32>
    %get3A_40 = vector.shape_cast %get3A_39 : vector<1x256xi32> to vector<256xi32>
    %broadcast_in_dim3A_41 = vector.shape_cast %get3A_40 : vector<256xi32> to vector<1x256xi32>
    %eq3A_42 = vector.broadcast %broadcast_in_dim3A_41 : vector<1x256xi32> to vector<1024x256xi32>
    %eq3A_43 = arith.cmpi eq, %iota3A, %eq3A_42 : vector<1024x256xi32>
    %convert_element_type3A_44 = arith.extui %eq3A_43 : vector<1024x256xi1> to vector<1024x256xi32>
    %convert_element_type3A_45 = arith.sitofp %convert_element_type3A_44 : vector<1024x256xi32> to vector<1024x256xf32>
    %convert_element_type3A_46 = arith.truncf %convert_element_type3A_45 : vector<1024x256xf32> to vector<1024x256xbf16>
    %get3A_47 = arith.constant 0 : index
    %get3A_48 = arith.constant 0 : index
    %get3A_49 = vector.load %arg2[%get3A_47, %get3A_48] : memref<1024x768xbf16, #tpu.memory_space<vmem>>, vector<1024x768xbf16>
    %dot_general3A_50 = arith.constant dense<0.000000e+00> : vector<768x256xf32>
    %dot_general3A_51 = tpu.matmul %get3A_49, %convert_element_type3A_46, %dot_general3A_50 {dimension_numbers = #tpu.dot_dimension_numbers<[0], [0], [1], [1], [0, 1, 1, 1], [], []>, transpose_lhs_hint = false} : vector<1024x768xbf16>, vector<1024x256xbf16>, vector<768x256xf32> -> vector<768x256xf32>
    %swap3A_52 = arith.constant 0 : index
    %swap3A_53 = arith.constant 0 : index
    %swap3A_54 = arith.constant 512 : index
    %swap3A_55 = vector.load %arg3[%swap3A_52, %swap3A_53, %swap3A_54] : memref<1x768x2048xf32, #tpu.memory_space<vmem>>, vector<1x768x256xf32>
    %swap3A_56 = vector.shape_cast %swap3A_55 : vector<1x768x256xf32> to vector<768x256xf32>
    %swap3A_57 = vector.shape_cast %dot_general3A_51 : vector<768x256xf32> to vector<1x768x256xf32>
    tpu.vector_store %arg3[%swap3A_52, %swap3A_53, %swap3A_54], %swap3A_57 {strides = array<i32>} : memref<1x768x2048xf32, #tpu.memory_space<vmem>>, vector<1x768x256xf32>,
    %get3A_58 = arith.index_cast %add3A_0 : i32 to index
    %get3A_59 = arith.constant 768 : index
    %get3A_60 = vector.load %arg1[%get3A_58, %get3A_59] : memref<8x2048xi32, #tpu.memory_space<vmem>>, vector<1x256xi32>
    %get3A_61 = vector.shape_cast %get3A_60 : vector<1x256xi32> to vector<256xi32>
    %broadcast_in_dim3A_62 = vector.shape_cast %get3A_61 : vector<256xi32> to vector<1x256xi32>
    %eq3A_63 = vector.broadcast %broadcast_in_dim3A_62 : vector<1x256xi32> to vector<1024x256xi32>
    %eq3A_64 = arith.cmpi eq, %iota3A, %eq3A_63 : vector<1024x256xi32>
    %convert_element_type3A_65 = arith.extui %eq3A_64 : vector<1024x256xi1> to vector<1024x256xi32>
    %convert_element_type3A_66 = arith.sitofp %convert_element_type3A_65 : vector<1024x256xi32> to vector<1024x256xf32>
    %convert_element_type3A_67 = arith.truncf %convert_element_type3A_66 : vector<1024x256xf32> to vector<1024x256xbf16>
    %get3A_68 = arith.constant 0 : index
    %get3A_69 = arith.constant 0 : index
    %get3A_70 = vector.load %arg2[%get3A_68, %get3A_69] : memref<1024x768xbf16, #tpu.memory_space<vmem>>, vector<1024x768xbf16>
    %dot_general3A_71 = arith.constant dense<0.000000e+00> : vector<768x256xf32>
    %dot_general3A_72 = tpu.matmul %get3A_70, %convert_element_type3A_67, %dot_general3A_71 {dimension_numbers = #tpu.dot_dimension_numbers<[0], [0], [1], [1], [0, 1, 1, 1], [], []>, transpose_lhs_hint = false} : vector<1024x768xbf16>, vector<1024x256xbf16>, vector<768x256xf32> -> vector<768x256xf32>
    %swap3A_73 = arith.constant 0 : index
    %swap3A_74 = arith.constant 0 : index
    %swap3A_75 = arith.constant 768 : index
    %swap3A_76 = vector.load %arg3[%swap3A_73, %swap3A_74, %swap3A_75] : memref<1x768x2048xf32, #tpu.memory_space<vmem>>, vector<1x768x256xf32>
    %swap3A_77 = vector.shape_cast %swap3A_76 : vector<1x768x256xf32> to vector<768x256xf32>
    %swap3A_78 = vector.shape_cast %dot_general3A_72 : vector<768x256xf32> to vector<1x768x256xf32>
    tpu.vector_store %arg3[%swap3A_73, %swap3A_74, %swap3A_75], %swap3A_78 {strides = array<i32>} : memref<1x768x2048xf32, #tpu.memory_space<vmem>>, vector<1x768x256xf32>,
    %get3A_79 = arith.index_cast %add3A_0 : i32 to index
    %get3A_80 = arith.constant 1024 : index
    %get3A_81 = vector.load %arg1[%get3A_79, %get3A_80] : memref<8x2048xi32, #tpu.memory_space<vmem>>, vector<1x256xi32>
    %get3A_82 = vector.shape_cast %get3A_81 : vector<1x256xi32> to vector<256xi32>
    %broadcast_in_dim3A_83 = vector.shape_cast %get3A_82 : vector<256xi32> to vector<1x256xi32>
    %eq3A_84 = vector.broadcast %broadcast_in_dim3A_83 : vector<1x256xi32> to vector<1024x256xi32>
    %eq3A_85 = arith.cmpi eq, %iota3A, %eq3A_84 : vector<1024x256xi32>
    %convert_element_type3A_86 = arith.extui %eq3A_85 : vector<1024x256xi1> to vector<1024x256xi32>
    %convert_element_type3A_87 = arith.sitofp %convert_element_type3A_86 : vector<1024x256xi32> to vector<1024x256xf32>
    %convert_element_type3A_88 = arith.truncf %convert_element_type3A_87 : vector<1024x256xf32> to vector<1024x256xbf16>
    %get3A_89 = arith.constant 0 : index
    %get3A_90 = arith.constant 0 : index
    %get3A_91 = vector.load %arg2[%get3A_89, %get3A_90] : memref<1024x768xbf16, #tpu.memory_space<vmem>>, vector<1024x768xbf16>
    %dot_general3A_92 = arith.constant dense<0.000000e+00> : vector<768x256xf32>
    %dot_general3A_93 = tpu.matmul %get3A_91, %convert_element_type3A_88, %dot_general3A_92 {dimension_numbers = #tpu.dot_dimension_numbers<[0], [0], [1], [1], [0, 1, 1, 1], [], []>, transpose_lhs_hint = false} : vector<1024x768xbf16>, vector<1024x256xbf16>, vector<768x256xf32> -> vector<768x256xf32>
    %swap3A_94 = arith.constant 0 : index
    %swap3A_95 = arith.constant 0 : index
    %swap3A_96 = arith.constant 1024 : index
    %swap3A_97 = vector.load %arg3[%swap3A_94, %swap3A_95, %swap3A_96] : memref<1x768x2048xf32, #tpu.memory_space<vmem>>, vector<1x768x256xf32>
    %swap3A_98 = vector.shape_cast %swap3A_97 : vector<1x768x256xf32> to vector<768x256xf32>
    %swap3A_99 = vector.shape_cast %dot_general3A_93 : vector<768x256xf32> to vector<1x768x256xf32>
    tpu.vector_store %arg3[%swap3A_94, %swap3A_95, %swap3A_96], %swap3A_99 {strides = array<i32>} : memref<1x768x2048xf32, #tpu.memory_space<vmem>>, vector<1x768x256xf32>,
    %get3A_100 = arith.index_cast %add3A_0 : i32 to index
    %get3A_101 = arith.constant 1280 : index
    %get3A_102 = vector.load %arg1[%get3A_100, %get3A_101] : memref<8x2048xi32, #tpu.memory_space<vmem>>, vector<1x256xi32>
    %get3A_103 = vector.shape_cast %get3A_102 : vector<1x256xi32> to vector<256xi32>
    %broadcast_in_dim3A_104 = vector.shape_cast %get3A_103 : vector<256xi32> to vector<1x256xi32>
    %eq3A_105 = vector.broadcast %broadcast_in_dim3A_104 : vector<1x256xi32> to vector<1024x256xi32>
    %eq3A_106 = arith.cmpi eq, %iota3A, %eq3A_105 : vector<1024x256xi32>
    %convert_element_type3A_107 = arith.extui %eq3A_106 : vector<1024x256xi1> to vector<1024x256xi32>
    %convert_element_type3A_108 = arith.sitofp %convert_element_type3A_107 : vector<1024x256xi32> to vector<1024x256xf32>
    %convert_element_type3A_109 = arith.truncf %convert_element_type3A_108 : vector<1024x256xf32> to vector<1024x256xbf16>
    %get3A_110 = arith.constant 0 : index
    %get3A_111 = arith.constant 0 : index
    %get3A_112 = vector.load %arg2[%get3A_110, %get3A_111] : memref<1024x768xbf16, #tpu.memory_space<vmem>>, vector<1024x768xbf16>
    %dot_general3A_113 = arith.constant dense<0.000000e+00> : vector<768x256xf32>
    %dot_general3A_114 = tpu.matmul %get3A_112, %convert_element_type3A_109, %dot_general3A_113 {dimension_numbers = #tpu.dot_dimension_numbers<[0], [0], [1], [1], [0, 1, 1, 1], [], []>, transpose_lhs_hint = false} : vector<1024x768xbf16>, vector<1024x256xbf16>, vector<768x256xf32> -> vector<768x256xf32>
    %swap3A_115 = arith.constant 0 : index
    %swap3A_116 = arith.constant 0 : index
    %swap3A_117 = arith.constant 1280 : index
    %swap3A_118 = vector.load %arg3[%swap3A_115, %swap3A_116, %swap3A_117] : memref<1x768x2048xf32, #tpu.memory_space<vmem>>, vector<1x768x256xf32>
    %swap3A_119 = vector.shape_cast %swap3A_118 : vector<1x768x256xf32> to vector<768x256xf32>
    %swap3A_120 = vector.shape_cast %dot_general3A_114 : vector<768x256xf32> to vector<1x768x256xf32>
    tpu.vector_store %arg3[%swap3A_115, %swap3A_116, %swap3A_117], %swap3A_120 {strides = array<i32>} : memref<1x768x2048xf32, #tpu.memory_space<vmem>>, vector<1x768x256xf32>,
    %get3A_121 = arith.index_cast %add3A_0 : i32 to index
    %get3A_122 = arith.constant 1536 : index
    %get3A_123 = vector.load %arg1[%get3A_121, %get3A_122] : memref<8x2048xi32, #tpu.memory_space<vmem>>, vector<1x256xi32>
    %get3A_124 = vector.shape_cast %get3A_123 : vector<1x256xi32> to vector<256xi32>
    %broadcast_in_dim3A_125 = vector.shape_cast %get3A_124 : vector<256xi32> to vector<1x256xi32>
    %eq3A_126 = vector.broadcast %broadcast_in_dim3A_125 : vector<1x256xi32> to vector<1024x256xi32>
    %eq3A_127 = arith.cmpi eq, %iota3A, %eq3A_126 : vector<1024x256xi32>
    %convert_element_type3A_128 = arith.extui %eq3A_127 : vector<1024x256xi1> to vector<1024x256xi32>
    %convert_element_type3A_129 = arith.sitofp %convert_element_type3A_128 : vector<1024x256xi32> to vector<1024x256xf32>
    %convert_element_type3A_130 = arith.truncf %convert_element_type3A_129 : vector<1024x256xf32> to vector<1024x256xbf16>
    %get3A_131 = arith.constant 0 : index
    %get3A_132 = arith.constant 0 : index
    %get3A_133 = vector.load %arg2[%get3A_131, %get3A_132] : memref<1024x768xbf16, #tpu.memory_space<vmem>>, vector<1024x768xbf16>
    %dot_general3A_134 = arith.constant dense<0.000000e+00> : vector<768x256xf32>
    %dot_general3A_135 = tpu.matmul %get3A_133, %convert_element_type3A_130, %dot_general3A_134 {dimension_numbers = #tpu.dot_dimension_numbers<[0], [0], [1], [1], [0, 1, 1, 1], [], []>, transpose_lhs_hint = false} : vector<1024x768xbf16>, vector<1024x256xbf16>, vector<768x256xf32> -> vector<768x256xf32>
    %swap3A_136 = arith.constant 0 : index
    %swap3A_137 = arith.constant 0 : index
    %swap3A_138 = arith.constant 1536 : index
    %swap3A_139 = vector.load %arg3[%swap3A_136, %swap3A_137, %swap3A_138] : memref<1x768x2048xf32, #tpu.memory_space<vmem>>, vector<1x768x256xf32>
    %swap3A_140 = vector.shape_cast %swap3A_139 : vector<1x768x256xf32> to vector<768x256xf32>
    %swap3A_141 = vector.shape_cast %dot_general3A_135 : vector<768x256xf32> to vector<1x768x256xf32>
    tpu.vector_store %arg3[%swap3A_136, %swap3A_137, %swap3A_138], %swap3A_141 {strides = array<i32>} : memref<1x768x2048xf32, #tpu.memory_space<vmem>>, vector<1x768x256xf32>,
    %get3A_142 = arith.index_cast %add3A_0 : i32 to index
    %get3A_143 = arith.constant 1792 : index
    %get3A_144 = vector.load %arg1[%get3A_142, %get3A_143] : memref<8x2048xi32, #tpu.memory_space<vmem>>, vector<1x256xi32>
    %get3A_145 = vector.shape_cast %get3A_144 : vector<1x256xi32> to vector<256xi32>
    %broadcast_in_dim3A_146 = vector.shape_cast %get3A_145 : vector<256xi32> to vector<1x256xi32>
    %eq3A_147 = vector.broadcast %broadcast_in_dim3A_146 : vector<1x256xi32> to vector<1024x256xi32>
    %eq3A_148 = arith.cmpi eq, %iota3A, %eq3A_147 : vector<1024x256xi32>
    %convert_element_type3A_149 = arith.extui %eq3A_148 : vector<1024x256xi1> to vector<1024x256xi32>
    %convert_element_type3A_150 = arith.sitofp %convert_element_type3A_149 : vector<1024x256xi32> to vector<1024x256xf32>
    %convert_element_type3A_151 = arith.truncf %convert_element_type3A_150 : vector<1024x256xf32> to vector<1024x256xbf16>
    %get3A_152 = arith.constant 0 : index
    %get3A_153 = arith.constant 0 : index
    %get3A_154 = vector.load %arg2[%get3A_152, %get3A_153] : memref<1024x768xbf16, #tpu.memory_space<vmem>>, vector<1024x768xbf16>
    %dot_general3A_155 = arith.constant dense<0.000000e+00> : vector<768x256xf32>
    %dot_general3A_156 = tpu.matmul %get3A_154, %convert_element_type3A_151, %dot_general3A_155 {dimension_numbers = #tpu.dot_dimension_numbers<[0], [0], [1], [1], [0, 1, 1, 1], [], []>, transpose_lhs_hint = false} : vector<1024x768xbf16>, vector<1024x256xbf16>, vector<768x256xf32> -> vector<768x256xf32>
    %swap3A_157 = arith.constant 0 : index
    %swap3A_158 = arith.constant 0 : index
    %swap3A_159 = arith.constant 1792 : index
    %swap3A_160 = vector.load %arg3[%swap3A_157, %swap3A_158, %swap3A_159] : memref<1x768x2048xf32, #tpu.memory_space<vmem>>, vector<1x768x256xf32>
    %swap3A_161 = vector.shape_cast %swap3A_160 : vector<1x768x256xf32> to vector<768x256xf32>
    %swap3A_162 = vector.shape_cast %dot_general3A_156 : vector<768x256xf32> to vector<1x768x256xf32>
    tpu.vector_store %arg3[%swap3A_157, %swap3A_158, %swap3A_159], %swap3A_162 {strides = array<i32>} : memref<1x768x2048xf32, #tpu.memory_space<vmem>>, vector<1x768x256xf32>,
    return
  }
  func.func @transform_0(%arg0: i32) -> (i32, i32) {
    %c0_i32 = arith.constant 0 : i32
    %c0_i32_0 = arith.constant 0 : i32
    %c0_i32_1 = arith.constant 0 : i32
    return %c0_i32, %c0_i32_0 : i32, i32
  }
  func.func @transform_1(%arg0: i32) -> (i32, i32) {
    %c0_i32 = arith.constant 0 : i32
    %c0_i32_0 = arith.constant 0 : i32
    %c0_i32_1 = arith.constant 0 : i32
    return %c0_i32, %c0_i32_0 : i32, i32
  }
  func.func @transform_2(%arg0: i32) -> (i32, i32, i32) {
    %add3A = arith.constant 4 : i32
    %add3A_0 = arith.addi %arg0, %add3A : i32
    %c0_i32 = arith.constant 0 : i32
    %c0_i32_1 = arith.constant 0 : i32
    %c0_i32_2 = arith.constant 0 : i32
    return %add3A_0, %c0_i32, %c0_i32_1 : i32, i32, i32
  }
}

module attributes {stable_mosaic.version = 14 : i64} {
  func.func @_proj_body(%arg0: i32, %arg1: memref<512x1024xf32, #tpu.memory_space<vmem>>, %arg2: memref<768x1024xf32, #tpu.memory_space<vmem>>, %arg3: memref<768xf32, #tpu.memory_space<vmem>>, %arg4: memref<512x384xi32, #tpu.memory_space<vmem>>, %arg5: memref<512x768xbf16, #tpu.memory_space<vmem>>) attributes {dimension_semantics = [#tpu.dimension_semantics<parallel>], iteration_bounds = array<i64: 2>, scalar_prefetch = 0 : i64, scratch_operands = 0 : i64, tpu.core_type = #tpu.core_type<tc>, window_params = [{transform_indices = @transform_0, window_bounds = array<i64: 512, 1024>}, {pipeline_mode = #tpu.pipeline_mode<synchronous>, transform_indices = @transform_1, window_bounds = array<i64: 768, 1024>}, {pipeline_mode = #tpu.pipeline_mode<synchronous>, transform_indices = @transform_2, window_bounds = array<i64: 768>}, {transform_indices = @transform_3, window_bounds = array<i64: 512, 384>}, {transform_indices = @transform_4, window_bounds = array<i64: 512, 768>}]} {
    %get3A = arith.constant 0 : index
    %get3A_0 = arith.constant 0 : index
    %get3A_1 = vector.load %arg1[%get3A, %get3A_0] : memref<512x1024xf32, #tpu.memory_space<vmem>>, vector<512x1024xf32>
    %convert_element_type3A = arith.truncf %get3A_1 : vector<512x1024xf32> to vector<512x1024xbf16>
    %get3A_2 = arith.constant 0 : index
    %get3A_3 = arith.constant 0 : index
    %get3A_4 = vector.load %arg2[%get3A_2, %get3A_3] : memref<768x1024xf32, #tpu.memory_space<vmem>>, vector<768x1024xf32>
    %convert_element_type3A_5 = arith.truncf %get3A_4 : vector<768x1024xf32> to vector<768x1024xbf16>
    %dot_general3A = arith.constant dense<0.000000e+00> : vector<512x768xf32>
    %dot_general3A_6 = tpu.matmul %convert_element_type3A, %convert_element_type3A_5, %dot_general3A {dimension_numbers = #tpu.dot_dimension_numbers<[1], [1], [0], [0], [0, 0, 1, 0], [], []>, transpose_lhs_hint = false} : vector<512x1024xbf16>, vector<768x1024xbf16>, vector<512x768xf32> -> vector<512x768xf32>
    %get3A_7 = arith.constant 0 : index
    %get3A_8 = vector.load %arg3[%get3A_7] : memref<768xf32, #tpu.memory_space<vmem>>, vector<768xf32>
    %broadcast_in_dim3A = vector.shape_cast %get3A_8 : vector<768xf32> to vector<1x768xf32>
    %add3A = vector.broadcast %broadcast_in_dim3A : vector<1x768xf32> to vector<512x768xf32>
    %add3A_9 = arith.addf %dot_general3A_6, %add3A : vector<512x768xf32>
    %convert_element_type3A_10 = arith.truncf %add3A_9 : vector<512x768xf32> to vector<512x768xbf16>
    %slice3A = vector.extract_strided_slice %convert_element_type3A_10 {offsets = [0, 0], sizes = [512, 384], strides = [1, 1]} : vector<512x768xbf16> to vector<512x384xbf16>
    %bitcast_convert_type3A = tpu.bitcast %slice3A : vector<512x384xbf16> -> vector<512x384xi16>
    %slice3A_11 = vector.extract_strided_slice %convert_element_type3A_10 {offsets = [0, 384], sizes = [512, 384], strides = [1, 1]} : vector<512x768xbf16> to vector<512x384xbf16>
    %bitcast_convert_type3A_12 = tpu.bitcast %slice3A_11 : vector<512x384xbf16> -> vector<512x384xi16>
    %convert_element_type3A_13 = arith.extsi %bitcast_convert_type3A : vector<512x384xi16> to vector<512x384xi32>
    %and3A = arith.constant 65535 : i32
    %and3A_14 = vector.broadcast %and3A : i32 to vector<512x384xi32>
    %and3A_15 = arith.andi %convert_element_type3A_13, %and3A_14 : vector<512x384xi32>
    %convert_element_type3A_16 = arith.extsi %bitcast_convert_type3A_12 : vector<512x384xi16> to vector<512x384xi32>
    %shift_left3A = arith.constant 16 : i32
    %shift_left3A_17 = vector.broadcast %shift_left3A : i32 to vector<512x384xi32>
    %shift_left3A_18 = arith.shli %convert_element_type3A_16, %shift_left3A_17 : vector<512x384xi32>
    %or3A = arith.ori %and3A_15, %shift_left3A_18 : vector<512x384xi32>
    %swap3A = arith.constant 0 : index
    %swap3A_19 = arith.constant 0 : index
    %swap3A_20 = vector.load %arg4[%swap3A, %swap3A_19] : memref<512x384xi32, #tpu.memory_space<vmem>>, vector<512x384xi32>
    tpu.vector_store %arg4[%swap3A, %swap3A_19], %or3A {strides = array<i32>} : memref<512x384xi32, #tpu.memory_space<vmem>>, vector<512x384xi32>,
    %swap3A_21 = arith.constant 0 : index
    %swap3A_22 = arith.constant 0 : index
    %swap3A_23 = vector.load %arg5[%swap3A_21, %swap3A_22] : memref<512x768xbf16, #tpu.memory_space<vmem>>, vector<512x768xbf16>
    tpu.vector_store %arg5[%swap3A_21, %swap3A_22], %convert_element_type3A_10 {strides = array<i32>} : memref<512x768xbf16, #tpu.memory_space<vmem>>, vector<512x768xbf16>,
    return
  }
  func.func @transform_0(%arg0: i32) -> (i32, i32) {
    %c0_i32 = arith.constant 0 : i32
    %c0_i32_0 = arith.constant 0 : i32
    return %arg0, %c0_i32 : i32, i32
  }
  func.func @transform_1(%arg0: i32) -> (i32, i32) {
    %c0_i32 = arith.constant 0 : i32
    %c0_i32_0 = arith.constant 0 : i32
    %c0_i32_1 = arith.constant 0 : i32
    return %c0_i32, %c0_i32_0 : i32, i32
  }
  func.func @transform_2(%arg0: i32) -> i32 {
    %c0_i32 = arith.constant 0 : i32
    %c0_i32_0 = arith.constant 0 : i32
    return %c0_i32 : i32
  }
  func.func @transform_3(%arg0: i32) -> (i32, i32) {
    %c0_i32 = arith.constant 0 : i32
    %c0_i32_0 = arith.constant 0 : i32
    return %arg0, %c0_i32 : i32, i32
  }
  func.func @transform_4(%arg0: i32) -> (i32, i32) {
    %c0_i32 = arith.constant 0 : i32
    %c0_i32_0 = arith.constant 0 : i32
    return %arg0, %c0_i32 : i32, i32
  }
}

</mosaic_0001>

<sc_bundles>
// kernel: kernel.6.cloned.1.call-start
scs
__scs_entry_jumppad:
0x0: {  	(pc) =	sbr.rel $0x88, $3  }
0x1: {  	(tag) =	ssettag $0x0;
	lr =	simm.s32 $0x1  }
0x2: {  	[smem:$0x3F9D] =	sst lr;
	_ =	strace $0xD0000000  }
0x3: {  	_ = 	snop  }
0x4: {  	_ = 	snop  }
0x5: {  	_ = 	snop  }
0x6: {  	_ = 	snop  }
0x7: {  	_ = 	snop  }
__scs_overlays_trampoline_lowered:
0x8: {  	[smem:$0x3FAC] =	sst s0  }
0x9: {  	[smem:$0x3FAD] =	sst s1  }
0xa: {  	[smem:$0x3FAE] =	sst s2  }
0xb: {  	[smem:$0x3FAF] =	sst s3  }
0xc: {  	[smem:$0x3FB0] =	sst s4  }
0xd: {  	[smem:$0x3FB1] =	sst s5  }
0xe: {  	[smem:$0x3FB2] =	sst s6  }
0xf: {  	[smem:$0x3FB3] =	sst s7  }
0x10: {  	[smem:$0x3FB4] =	sst s8  }
0x11: {  	[smem:$0x3FB5] =	sst s9;
	s0 =	simm.s32 @!p0 $0x0  }
0x12: {  	s1 =	sld [smem:$0x3F9B];
	s0 =	simm.s32 @p0 $0x1  }
0x13: {  	[smem:$0x3FB6] =	sst s0;
	s0 =	simm.s32 @!p1 $0x0  }
0x14: {  	s2 =	sld [smem:$0x3F9A];
	s0 =	simm.s32 @p1 $0x1  }
0x15: {  	[smem:$0x3FB7] =	sst s0;
	s0 =	simm.s32 @!p2 $0x0  }
0x16: {  	s3 =	sld [smem:$0x3FDB];
	s0 =	simm.s32 @p2 $0x1  }
0x17: {  	s4 =	simm.s32 $0x1BF5;
	[smem:$0x3FB9] =	sst s0  }
0x18: {  	s0 =	sld [smem:$0x3F9C];
	_ =	swait.ge [sflag:s4], $0x0  }
0x19: {  	s7 =	sld [smem:$0x3F9D]  }
0x1a: {  	s8 =	sadd.s32 $0xFFFFE003, lr  }
0x1b: {  	s9 =	sadd.s32 $0xFFFFFEF7, lr;
	s5 =	simm.s32 $0xFFFFFFFF;
	p2 =	slt.u32 s8, $0xFFFFF086  }
0x1c: {  	p1 =	slt.u32 s9, $0xF7A;
	s5 =	simm.s32 @!p2 $0x0  }
0x1d: {  	s5 =	simm.s32 @p1 $0x1;
	p0 =	seq.s32 s7, s2  }
0x1e: {  	s7 =	smul.u32 @!p0 $0xF7A, s2;
	p2 =	seq.s32 @!p0 s5, $0x0  }
0x1f: {  	s9 =	smul.u32 $0xF7A, s1;
	s8 =	simm.s32 @!p0 $0x1BF5;
	p2 =	por !p2, p0  }
0x20: {  	[sflag:s8] =	ssyncset.s32 @!p0 $0xFFFFF086;
	s6 =	sadd.s32 @!p0 s3, s7;
	s7 =	simm.s32 @!p0 $0x108  }
0x21: {  	s3 =	sadd.s32 s3, s9;
	s6 =	sadd.s32 @!p0 $0x88, s6;
	s7 =	simm.s32 @p2 $0x1082  }
0x22: {  	[simem:s7], [sflag:s8] =	dma.local @!p0 [hbm:s6], $0xF7A  }
0x23: {  	s9 =	sor.u32 $0xD0000000, s2;
	s6 =	simm.s32 $0x108;
	_ =	swait.ge @!p0 [sflag:s8], $0x0  }
0x24: {  	s3 =	sadd.s32 $0x88, s3;
	s6 =	simm.s32 @!p1 $0x1082;
	[sflag:s4] =	ssyncset.s32 $0xFFFFF086  }
0x25: {  	[simem:s6], [sflag:s4] =	dma.local [hbm:s3], $0xF7A  }
0x26: {  	[smem:$0x3F9D] =	sst s1;
	(tag) =	ssettag s2;
	_ =	strace s9  }
0x27: {  	s1 =	sld [smem:$0x3FAD]  }
0x28: {  	s2 =	sld [smem:$0x3FAE]  }
0x29: {  	s4 =	sld [smem:$0x3FB0]  }
0x2a: {  	p0 =	seq.s32 s5, $0x0;
	s5 =	sld [smem:$0x3FB1]  }
0x2b: {  	s6 =	sld [smem:$0x3FB2]  }
0x2c: {  	s7 =	sld [smem:$0x3FB3]  }
0x2d: {  	s3 =	simm.s32 $0x108;
	s8 =	sld [smem:$0x3FB4]  }
0x2e: {  	s3 =	simm.s32 @!p0 $0x1082;
	s9 =	sld [smem:$0x3FB5]  }
0x2f: {  	lr =	sadd.s32 s0, s3;
	s0 =	sld [smem:$0x3FAC]  }
0x30: {  	s3 =	sld [smem:$0x3FAF]  }
0x31: {  	[smem:$0x3FB8] =	sst s10  }
0x32: {  	s10 =	sld [smem:$0x3FB6];
	_ =	sdelay $0x3  }
0x33: {  	p0 =	seq.s32 s10, $0x1;
	s10 =	sld [smem:$0x3FB8];
	_ =	sdelay $0x3  }
0x34: {  	[smem:$0x3FB8] =	sst s10  }
0x35: {  	s10 =	sld [smem:$0x3FB7];
	_ =	sdelay $0x3  }
0x36: {  	p1 =	seq.s32 s10, $0x1;
	s10 =	sld [smem:$0x3FB8];
	_ =	sdelay $0x3  }
0x37: {  	[smem:$0x3FB8] =	sst s10  }
0x38: {  	s10 =	sld [smem:$0x3FB9]  }
0x39: {  	_ = 	snop;
	(pc) =	sbr.ind lr, $3  }
0x3a: {  	_ = 	snop  }
0x3b: {  	_ = 	snop  }
0x3c: {  	p2 =	seq.s32 s10, $0x1;
	s10 =	sld [smem:$0x3FB8]  }
0x3d: {  	_ =	shalt  }
0x3e: {  	_ =	shalt  }
0x3f: {  	_ =	shalt  }
0x40: {  	_ =	shalt  }
0x41: {  	_ =	shalt  }
0x42: {  	_ =	shalt  }
0x43: {  	_ =	shalt  }
0x44: {  	_ =	shalt  }
0x45: {  	_ =	shalt  }
0x46: {  	_ =	shalt  }
0x47: {  	_ =	shalt  }
0x48: {  	_ =	shalt  }
0x49: {  	_ =	shalt  }
0x4a: {  	_ =	shalt  }
0x4b: {  	_ =	shalt  }
0x4c: {  	_ =	shalt  }
0x4d: {  	_ =	shalt  }
0x4e: {  	_ =	shalt  }
0x4f: {  	_ =	shalt  }
0x50: {  	_ =	shalt  }
0x51: {  	_ =	shalt  }
0x52: {  	_ =	shalt  }
0x53: {  	_ =	shalt  }
0x54: {  	_ =	shalt  }
0x55: {  	_ =	shalt  }
0x56: {  	_ =	shalt  }
0x57: {  	_ =	shalt  }
0x58: {  	_ =	shalt  }
0x59: {  	_ =	shalt  }
0x5a: {  	_ =	shalt  }
0x5b: {  	_ =	shalt  }
0x5c: {  	_ =	shalt  }
0x5d: {  	_ =	shalt  }
0x5e: {  	_ =	shalt  }
0x5f: {  	_ =	shalt  }
0x60: {  	_ =	shalt  }
0x61: {  	_ =	shalt  }
0x62: {  	_ =	shalt  }
0x63: {  	_ =	shalt  }
0x64: {  	_ =	shalt  }
0x65: {  	_ =	shalt  }
0x66: {  	_ =	shalt  }
0x67: {  	_ =	shalt  }
0x68: {  	_ =	shalt  }
0x69: {  	_ =	shalt  }
0x6a: {  	_ =	shalt  }
0x6b: {  	_ =	shalt  }
0x6c: {  	_ =	shalt  }
0x6d: {  	_ =	shalt  }
0x6e: {  	_ =	shalt  }
0x6f: {  	_ =	shalt  }
0x70: {  	_ =	shalt  }
0x71: {  	_ =	shalt  }
0x72: {  	_ =	shalt  }
0x73: {  	_ =	shalt  }
0x74: {  	_ =	shalt  }
0x75: {  	_ =	shalt  }
0x76: {  	_ =	shalt  }
0x77: {  	_ =	shalt  }
0x78: {  	_ =	shalt  }
0x79: {  	_ =	shalt  }
0x7a: {  	_ =	shalt  }
0x7b: {  	_ =	shalt  }
0x7c: {  	_ =	shalt  }
0x7d: {  	_ =	shalt  }
0x7e: {  	_ =	shalt  }
0x7f: {  	_ =	shalt  }
0x80: {  	_ =	shalt  }
0x81: {  	_ =	shalt  }
0x82: {  	_ =	shalt  }
0x83: {  	_ =	shalt  }
0x84: {  	_ =	shalt  }
0x85: {  	_ =	shalt  }
0x86: {  	_ =	shalt  }
0x87: {  	_ =	shalt  }
.Lfunc_end0:
.L_simem_size_0:
called_computation_lowered:
.L_overlay_start_0:
0x88: {  	s2 =	sld [smem:$0x3FD9]  }
0x89: {  	s3 =	sld [smem:$0x3FFE];
	_ =	sdelay $0x1  }
0x8a: {  	s1 =	srdreg.scid  }
0x8b: {  	s0 =	sand.u32 $0x1, s1  }
0x8c: {  	s17 =	sshll.u32 s0, $0xA;
	s2 =	sadd.s32 s3, s2  }
0x8d: {  	s2 =	sadd.s32 s2, s17  }
0x8e: {  	[smem:$0x3FC4] =	sst s2  }
0x8f: {  	_ = 	snop  }
0x90: {  	s2 =	sld [smem:$0x3FC9];
	(tm) =	ssettm $0x1  }
0x91: {  	s18 =	sld [smem:$0x3FFB];
	_ =	sdelay $0x3  }
0x92: {  	_ =	strace s18  }
0x93: {  	s3 =	sld [smem:$0x3FFC];
	_ =	sdelay $0x3  }
0x94: {  	_ =	strace s3  }
0x95: {  	s3 =	sld [smem:$0x3FFD];
	_ =	sdelay $0x3  }
0x96: {  	_ =	strace s3  }
0x97: {  	_ =	strace $0x8FFFFFFF  }
0x98: {  	s19 =	sld [smem:$0x3FDB];
	_ =	sdelay $0x1  }
0x99: {  	s4 =	simm.s32 $_scs_section_size  }
0x9a: {  	s5 =	simm.s32 $_size__tile_overlayer_lowered;
	s6 =	simm.s32 $_tile_overlayer_lowered  }
0x9b: {  	s22 =	simm.s32 $0x1BFF;
	s21 =	sshll.u32 s6, $0x1;
	s3 =	sadd.s32 s4, s19  }
0x9c: {  	s7 =	simm.s32 $0x0;
	s20 =	sshll.u32 s5, $0x1;
	s5 =	sadd.s32 s21, s3  }
0x9d: {  	[timem:s7], [sflag:s22] =	dma.local [hbm:s5], s20  }
0x9e: {  	_ =	swait.ge [sflag:s22], s20  }
0x9f: {  	s4 =	ssub.s32 $0x0, s20;
	[sflag:s22] =	ssyncset.done $0x0  }
0xa0: {  	[sflag:s22] =	ssyncadd.s32 s4;
	_ =	sdelay $0x1  }
0xa1: {  	s23 =	simm.s32 $0x1B8B  }
0xa2: {  	_ =	swait.ge [sflag:s23], $0x1  }
0xa3: {  	[sflag:s23] =	ssyncset.done $0x0  }
0xa4: {  	s25 =	simm.s32 $0x1B8E;
	s24 =	sld [smem:$0x3FFE];
	[sflag:s23] =	ssyncadd.s32 $0xFFFFFFFF  }
0xa5: {  	s26 =	simm.s32 $execute0_lowered;
	[smem:$0x3FD2] =	sst s25  }
0xa6: {  	s5 =	sshll.u32 s26, $0x1;
	_ =	strace $0x80000046;
	[dreg:$0x1] =	wrdreg $0xFFFFFFFF  }
0xa7: {  	s28 =	simm.s32 $_size_execute0_lowered;
	s3 =	sadd.s32 s3, s5;
	[dreg:$0x0] =	wrdreg $0x0  }
0xa8: {  	s5 =	sshll.u32 s28, $0x1;
	[dreg:$0x2] =	wrdreg s3  }
0xa9: {  	[dreg:$0x3] =	wrdreg s5  }
0xaa: {  	[dreg:$0x4] =	wrdreg $0xC0  }
0xab: {  	_ =	task [dreg:s7], $0x5FFFF  }
0xac: {  	[dreg:$0x1] =	wrdreg $0xFFFFFFFF  }
0xad: {  	[dreg:$0x0] =	wrdreg $0x60  }
0xae: {  	[dreg:$0x2] =	wrdreg s24  }
0xaf: {  	[dreg:$0x3] =	wrdreg s2  }
0xb0: {  	[dreg:$0x4] =	wrdreg $0x9  }
0xb1: {  	_ =	task.clear_ibuf [dreg:s7], $0x5FFFF;
	_ =	strace $0x90000046  }
0xb2: {  	s29 =	simm.s32 $0x9;
	_ =	strace $0x80000048  }
0xb3: {  	_ =	swait.ge [sflag:s29], $0x1  }
0xb4: {  	[sflag:s29] =	ssyncadd.s32 $0xFFFFFFFF  }
0xb5: {  	_ =	strace $0x90000048  }
0xb6: {  	_ =	sfence  }
0xb7: {  	s30 =	sld [smem:$0x0];
	_ =	sdelay $0x2  }
0xb8: {  	s31 =	sshll.u32 s1, $0xD;
	s1 =	sshrl.u32 s1, $0x2  }
0xb9: {  	s3 =	sand.u32 $0x4000, s31;
	s1 =	sadd.s32 s1, s30  }
0xba: {  	s0 =	sor.u32 s3, s0;
	s1 =	sshll.u32 s1, $0x11  }
0xbb: {  	s0 =	sor.u32 s1, s0  }
0xbc: {  	s0 =	sadd.s32 $0x8F2B, s0  }
0xbd: {  	[sflag:s0] =	ssyncadd.remote.s32 $0x1  }
0xbe: {  	_ =	sfence.sel $0xFFFF  }
0xbf: {  	[dreg:$0x0] =	wrdreg $0xFFFFFFFF;
	(pc) =	sbr.abs _section_cstart, $3  }
0xc0: {  	[dreg:$0x1] =	wrdreg $0xFFFFFFFF  }
0xc1: {  	_ =	task.clear_ibuf [dreg:s7], $0x2FFFF;
	_ =	strace $0x9FFFFFFF  }
0xc2: {  	(tm) =	ssettm $0x7FFFFFFF  }
0xc3: {  	_ =	shalt  }
tec
execute0_lowered:
.L_overlay_start_1:
0x0: {  	(tag) =	ssettag $0x1  }
0x1: {  	s1 =	srdreg.scid  }
0x2: {  	s0 =	stileid.u32;
	s5 =	sand.u32 $0x1, s1  }
0x3: {  	s4 =	rddreg [dreg:$0x1];
	s2 =	sshll.u32 s0, $0x9;
	s3 =	sshll.u32 s5, $0x8  }
0x4: {  	s1 =	rddreg [dreg:$0x0];
	s3 =	sor.u32 s3, s2;
	s2 =	simm.s32 $0x0  }
0x5: {  	s20 =	simm.s32 $0x80;
	[smem:$0x7FF] =	sst s2  }
0x6: {  	s21 =	simm.s32 $0x400;
	_ =	strace $0x80000047;
	[dreg:$0x7] =	wrdreg s20  }
0x7: {  	s22 =	simm.s32 $0x900;
	[dreg:$0x8] =	wrdreg s21  }
0x8: {  	s23 =	simm.s32 $0xD00;
	[dreg:$0x9] =	wrdreg s22  }
0x9: {  	s24 =	simm.s32 $0x1500;
	[dreg:$0xa] =	wrdreg s23  }
0xa: {  	s25 =	simm.s32 $0x1900;
	[dreg:$0xb] =	wrdreg s24  }
0xb: {  	s26 =	simm.s32 $0x2100;
	s7 =	sshll.u32 s0, $0x2;
	[dreg:$0xc] =	wrdreg s25  }
0xc: {  	s0 =	simm.s32 $0x2500;
	s7 =	sand.u32 $0x30, s7;
	[dreg:$0xd] =	wrdreg s26  }
0xd: {  	s4 =	sadd.s32 s4, s7;
	s7 =	simm.s32 $0x3100;
	[dreg:$0xe] =	wrdreg s0  }
0xe: {  	s10 =	simm.s32 $0x4500;
	[dreg:$0x10] =	wrdreg s7  }
0xf: {  	s11 =	simm.s32 $0x4900;
	[dreg:$0x13] =	wrdreg s10  }
0x10: {  	s12 =	simm.s32 $0x5100;
	[dreg:$0x14] =	wrdreg s11  }
0x11: {  	s13 =	simm.s32 $0x5500;
	[dreg:$0x15] =	wrdreg s12  }
0x12: {  	s14 =	simm.s32 $0x5D00;
	[dreg:$0x16] =	wrdreg s13  }
0x13: {  	s15 =	simm.s32 $0x6900;
	s16 =	simm.s32 $0x6D00;
	[dreg:$0x17] =	wrdreg s14  }
0x14: {  	s6 =	sshrl.u32 s3, $0x3;
	s3 =	sand.u32 $0x700, s3;
	[dreg:$0x18] =	wrdreg s15  }
0x15: {  	s4 =	sadd.s32 s3, s4;
	[dreg:$0x19] =	wrdreg s16  }
0x16: {  	s20 =	simm.s32 $0x8500;
	[dreg:$0x3] =	wrdreg s4  }
0x17: {  	s21 =	simm.s32 $0x8D00;
	[dreg:$0x1d] =	wrdreg s20  }
0x18: {  	s22 =	simm.s32 $0x9100;
	[dreg:$0x1e] =	wrdreg s21  }
0x19: {  	s23 =	simm.s32 $0x9900;
	[dreg:$0x1f] =	wrdreg s22  }
0x1a: {  	s24 =	simm.s32 $0x9D00;
	[smem:$0x7E5] =	sst s23  }
0x1b: {  	s25 =	simm.s32 $0xA500;
	[smem:$0x7E6] =	sst s24  }
0x1c: {  	s26 =	simm.s32 $0xA900;
	[smem:$0x7E7] =	sst s25  }
0x1d: {  	s0 =	simm.s32 $0xB100;
	[smem:$0x7E8] =	sst s26  }
0x1e: {  	s7 =	simm.s32 $0xBD00;
	[smem:$0x7E9] =	sst s0  }
0x1f: {  	s10 =	simm.s32 $0xD500;
	[smem:$0x7EB] =	sst s7  }
0x20: {  	s28 =	simm.s32 $0x4;
	s11 =	simm.s32 $0xD900;
	[smem:$0x7EE] =	sst s10  }
0x21: {  	s29 =	simm.s32 $0x5;
	s12 =	simm.s32 $0xE100;
	[smem:$0x7EF] =	sst s11  }
0x22: {  	s30 =	simm.s32 $0x6;
	s13 =	simm.s32 $0xE500;
	[smem:$0x7F0] =	sst s12  }
0x23: {  	s31 =	simm.s32 $0x7;
	s14 =	simm.s32 $0xED00;
	[smem:$0x7F1] =	sst s13  }
0x24: {  	s9 =	sadd.s32 $0xD200, s1;
	s15 =	simm.s32 $0xF100;
	[smem:$0x7F2] =	sst s14  }
0x25: {  	s5 =	ssub.s32 $0x2, s5;
	s16 =	simm.s32 $0xF900;
	[smem:$0x7F3] =	sst s15  }
0x26: {  	s8 =	smul.u32 $0x180, s6;
	[smem:$0x7F4] =	sst s16;
	s20 =	simm.s32 $0x10900  }
0x27: {  	s6 =	smul.u32 $0xC00, s6;
	s21 =	simm.s32 $0x11100;
	[smem:$0x7F7] =	sst s20  }
0x28: {  	s4 =	sadd.s32 $0x1200, s1;
	s22 =	simm.s32 $0x11500;
	[smem:$0x7F8] =	sst s21  }
0x29: {  	s23 =	simm.s32 $0x11D00;
	s24 =	simm.s32 $0x12900;
	[smem:$0x7F9] =	sst s22  }
0x2a: {  	s10 =	simm.s32 $0xC100;
	s25 =	simm.s32 $0x12D00;
	[smem:$0x7FA] =	sst s23  }
0x2b: {  	s11 =	simm.s32 $0x12100;
	s26 =	simm.s32 $0x13500;
	[smem:$0x7FB] =	sst s24  }
0x2c: {  	s14 =	simm.s32 $0x14500;
	s15 =	simm.s32 $0x14D00;
	[smem:$0x7FC] =	sst s25  }
0x2d: {  	s3 =	sadd.s32 s9, s8;
	s8 =	simm.s32 $0x3900;
	[smem:$0x7FD] =	sst s26  }
0x2e: {  	s6 =	sshrl.u32 s6, $0x3;
	s17 =	sadd.s32 $0xC00, s3;
	[dreg:$0x11] =	wrdreg s8  }
0x2f: {  	s6 =	sadd.s32 s9, s6;
	s9 =	simm.s32 $0x3D00;
	[dreg:$0x4] =	wrdreg s17  }
0x30: {  	s16 =	simm.s32 $0x15100;
	s8 =	simm.s32 $0xC900;
	[dreg:$0x12] =	wrdreg s9  }
0x31: {  	s20 =	simm.s32 $0x16900;
	s18 =	sadd.s32 $0x1800, s6;
	[smem:$0x7EC] =	sst s8  }
0x32: {  	s21 =	simm.s32 $0x17100;
	s19 =	sadd.s32 $0x2400, s6;
	[dreg:$0x5] =	wrdreg s18  }
0x33: {  	s22 =	simm.s32 $0x17500;
	s6 =	simm.s32 $0x2D00;
	[dreg:$0x6] =	wrdreg s19  }
0x34: {  	s23 =	simm.s32 $0x17D00;
	s17 =	simm.s32 $0x7500;
	[dreg:$0xf] =	wrdreg s6  }
0x35: {  	s24 =	simm.s32 $0x1;
	s9 =	simm.s32 $0xCD00;
	[dreg:$0x1a] =	wrdreg s17  }
0x36: {  	s25 =	simm.s32 $0x2;
	s18 =	simm.s32 $0x7900;
	[smem:$0x7ED] =	sst s9  }
0x37: {  	s26 =	simm.s32 $0x3;
	s19 =	simm.s32 $0x8100;
	[dreg:$0x1b] =	wrdreg s18  }
0x38: {  	s8 =	simm.s32 $0x100;
	s6 =	simm.s32 $0xB500;
	[dreg:$0x1c] =	wrdreg s19  }
0x39: {  	s17 =	sshrl.u32 s5, $0x1;
	s9 =	simm.s32 $0x6100;
	[smem:$0x7EA] =	sst s6  }
0x3a: {  	s18 =	simm.s32 $0xFD00;
	s7 =	ssub.s32 s5, s17;
	s19 =	simm.s32 $0x10500  }
0x3b: {  	v2 =	vlaneseq.u32;
	s5 =	sadd.s32 $0x1300, s1;
	s17 =	simm.s32 $0x15900;
	[smem:$0x7F5] =	sst s18  }
0x3c: {  	vm0 =	vmmov $0xffff;
	vm1 =	vmmov $0xff;
	v1 =	vshrl.u32 v2, $0x3;
	s1 =	simm.s32 $0x8;
	[smem:$0x7F6] =	sst s19;
	s6 =	smax.u32 s7, $0x1  }
0x3d: {  	v0 =	vand.u32 $0x7, v2;
	v2 =	vor.u32 $0x8, v2;
	v1 =	vmul.u32 $0x8, v1;
	s7 =	simm.s32 $0x9;
	s18 =	simm.s32 $0x15D00;
	s19 =	simm.s32 $0x16500  }
.LBB2_1:
0x3e: {  	s0 =	rddreg [dreg:$0x3]  }
0x3f: {  	s12 =	rddreg [dreg:$0x7]  }
0x40: {  	s13 =	rddreg [dreg:$0x8]  }
0x41: {  	[tilespmem:s2], [sflag:$0x9] =	stream.strided.gather [hbm4b:s0+s12], $0x100, s13, s12, $0x38;
	[tilespmem:$0x18100] =	vst v63  }
0x42: {  	_ =	swait.ge [sflag:s7], $0x100  }
0x43: {  	[sflag:s7] =	ssyncset.done $0x0  }
0x44: {  	[sflag:s7] =	ssyncadd.s32 $0xFFFFFF00  }
0x45: {  	v3 =	vld [tilespmem:$0x0];
	_ =	sdelay $0x4  }
0x46: {  	v4 =	vshrl.u32 v3, $0x3  }
0x47: {  	v4 =	vmul.u32 $0x18, v4  }
0x48: {  	v3 =	vand.u32 $0x7, v3  }
0x49: {  	v3 =	vor.u32 v3, v4  }
0x4a: {  	v4 =	vperm.xlane v3, v0;
	_ =	sdelay $0x1  }
0x4b: {  	v4 =	vadd.s32 v1, v4;
	_ =	sdelay $0x1  }
0x4c: {  	v3 =	vperm.xlane v3, v2;
	_ =	sdelay $0x1  }
0x4d: {  	v3 =	vadd.s32 v1, v3  }
0x4e: {  	[tilespmem:s8], [sflag:$0x1] =	stream.indirect_vreg.gather [hbm4b:s4+s2], $0x80, v4, vm0, $0xb8;
	[tilespmem:$0x18100] =	vst v63  }
0x4f: {  	s13 =	rddreg [dreg:$0x9]  }
0x50: {  	[tilespmem:s13], [sflag:$0x1] =	stream.indirect_vreg.gather [hbm4b:s5+s2], $0x80, v4, vm1, $0xb8;
	[tilespmem:$0x18100] =	vst v63  }
0x51: {  	s12 =	rddreg [dreg:$0xa]  }
0x52: {  	[tilespmem:s12], [sflag:$0x1] =	stream.indirect_vreg.gather [hbm4b:s4+s2], $0x80, v3, vm0, $0xb8;
	[tilespmem:$0x18100] =	vst v63  }
0x53: {  	s13 =	rddreg [dreg:$0xb]  }
0x54: {  	[tilespmem:s13], [sflag:$0x1] =	stream.indirect_vreg.gather [hbm4b:s5+s2], $0x80, v3, vm1, $0xb8;
	[tilespmem:$0x18100] =	vst v63  }
0x55: {  	v3 =	vld [tilespmem:$0x10];
	_ =	sdelay $0x4  }
0x56: {  	v49 =	vshrl.u32 v3, $0x3  }
0x57: {  	v4 =	vmul.u32 $0x18, v49  }
0x58: {  	v3 =	vand.u32 $0x7, v3  }
0x59: {  	v3 =	vor.u32 v3, v4  }
0x5a: {  	v4 =	vperm.xlane v3, v0;
	_ =	sdelay $0x1  }
0x5b: {  	v4 =	vadd.s32 v1, v4;
	_ =	sdelay $0x1  }
0x5c: {  	v3 =	vperm.xlane v3, v2;
	_ =	sdelay $0x1  }
0x5d: {  	s12 =	rddreg [dreg:$0xc];
	v3 =	vadd.s32 v1, v3  }
0x5e: {  	[tilespmem:s12], [sflag:$0x1] =	stream.indirect_vreg.gather [hbm4b:s4+s2], $0x80, v4, vm0, $0xb8;
	[tilespmem:$0x18100] =	vst v63  }
0x5f: {  	s13 =	rddreg [dreg:$0xd]  }
0x60: {  	[tilespmem:s13], [sflag:$0x1] =	stream.indirect_vreg.gather [hbm4b:s5+s2], $0x80, v4, vm1, $0xb8;
	[tilespmem:$0x18100] =	vst v63  }
0x61: {  	s0 =	rddreg [dreg:$0xe]  }
0x62: {  	[tilespmem:s0], [sflag:$0x1] =	stream.indirect_vreg.gather [hbm4b:s4+s2], $0x80, v3, vm0, $0xb8;
	[tilespmem:$0x18100] =	vst v63  }
0x63: {  	s13 =	rddreg [dreg:$0xf]  }
0x64: {  	[tilespmem:s13], [sflag:$0x1] =	stream.indirect_vreg.gather [hbm4b:s5+s2], $0x80, v3, vm1, $0xb8;
	[tilespmem:$0x18100] =	vst v63  }
0x65: {  	v3 =	vld [tilespmem:$0x20];
	_ =	sdelay $0x4  }
0x66: {  	v50 =	vshrl.u32 v3, $0x3  }
0x67: {  	v4 =	vmul.u32 $0x18, v50  }
0x68: {  	v3 =	vand.u32 $0x7, v3  }
0x69: {  	v3 =	vor.u32 v3, v4  }
0x6a: {  	v4 =	vperm.xlane v3, v0;
	_ =	sdelay $0x1  }
0x6b: {  	v4 =	vadd.s32 v1, v4;
	_ =	sdelay $0x1  }
0x6c: {  	v3 =	vperm.xlane v3, v2;
	_ =	sdelay $0x1  }
0x6d: {  	s12 =	rddreg [dreg:$0x10];
	v3 =	vadd.s32 v1, v3  }
0x6e: {  	[tilespmem:s12], [sflag:$0x1] =	stream.indirect_vreg.gather [hbm4b:s4+s2], $0x80, v4, vm0, $0xb8;
	[tilespmem:$0x18100] =	vst v63  }
0x6f: {  	s13 =	rddreg [dreg:$0x11]  }
0x70: {  	[tilespmem:s13], [sflag:$0x1] =	stream.indirect_vreg.gather [hbm4b:s5+s2], $0x80, v4, vm1, $0xb8;
	[tilespmem:$0x18100] =	vst v63  }
0x71: {  	s0 =	rddreg [dreg:$0x12]  }
0x72: {  	[tilespmem:s0], [sflag:$0x1] =	stream.indirect_vreg.gather [hbm4b:s4+s2], $0x80, v3, vm0, $0xb8;
	[tilespmem:$0x18100] =	vst v63  }
0x73: {  	s13 =	rddreg [dreg:$0x13]  }
0x74: {  	[tilespmem:s13], [sflag:$0x1] =	stream.indirect_vreg.gather [hbm4b:s5+s2], $0x80, v3, vm1, $0xb8;
	[tilespmem:$0x18100] =	vst v63  }
0x75: {  	v3 =	vld [tilespmem:$0x30];
	_ =	sdelay $0x4  }
0x76: {  	v51 =	vshrl.u32 v3, $0x3  }
0x77: {  	v4 =	vmul.u32 $0x18, v51  }
0x78: {  	v3 =	vand.u32 $0x7, v3  }
0x79: {  	v3 =	vor.u32 v3, v4  }
0x7a: {  	v4 =	vperm.xlane v3, v0;
	_ =	sdelay $0x1  }
0x7b: {  	v4 =	vadd.s32 v1, v4;
	_ =	sdelay $0x1  }
0x7c: {  	v3 =	vperm.xlane v3, v2;
	_ =	sdelay $0x1  }
0x7d: {  	s12 =	rddreg [dreg:$0x14];
	v3 =	vadd.s32 v1, v3  }
0x7e: {  	[tilespmem:s12], [sflag:$0x1] =	stream.indirect_vreg.gather [hbm4b:s4+s2], $0x80, v4, vm0, $0xb8;
	[tilespmem:$0x18100] =	vst v63  }
0x7f: {  	s13 =	rddreg [dreg:$0x15]  }
0x80: {  	[tilespmem:s13], [sflag:$0x1] =	stream.indirect_vreg.gather [hbm4b:s5+s2], $0x80, v4, vm1, $0xb8;
	[tilespmem:$0x18100] =	vst v63  }
0x81: {  	s0 =	rddreg [dreg:$0x16]  }
0x82: {  	[tilespmem:s0], [sflag:$0x1] =	stream.indirect_vreg.gather [hbm4b:s4+s2], $0x80, v3, vm0, $0xb8;
	[tilespmem:$0x18100] =	vst v63  }
0x83: {  	s13 =	rddreg [dreg:$0x17]  }
0x84: {  	[tilespmem:s13], [sflag:$0x1] =	stream.indirect_vreg.gather [hbm4b:s5+s2], $0x80, v3, vm1, $0xb8;
	[tilespmem:$0x18100] =	vst v63  }
0x85: {  	v3 =	vld [tilespmem:$0x40];
	_ =	sdelay $0x4  }
0x86: {  	v52 =	vshrl.u32 v3, $0x3  }
0x87: {  	v4 =	vmul.u32 $0x18, v52  }
0x88: {  	v3 =	vand.u32 $0x7, v3  }
0x89: {  	v3 =	vor.u32 v3, v4  }
0x8a: {  	v4 =	vperm.xlane v3, v0;
	_ =	sdelay $0x1  }
0x8b: {  	v4 =	vadd.s32 v1, v4;
	_ =	sdelay $0x1  }
0x8c: {  	v3 =	vperm.xlane v3, v2;
	_ =	sdelay $0x1  }
0x8d: {  	v3 =	vadd.s32 v1, v3  }
0x8e: {  	[tilespmem:s9], [sflag:$0x2] =	stream.indirect_vreg.gather [hbm4b:s4+s2], $0x80, v4, vm0, $0xb8;
	[tilespmem:$0x18100] =	vst v63  }
0x8f: {  	s13 =	rddreg [dreg:$0x18]  }
0x90: {  	[tilespmem:s13], [sflag:$0x2] =	stream.indirect_vreg.gather [hbm4b:s5+s2], $0x80, v4, vm1, $0xb8;
	[tilespmem:$0x18100] =	vst v63  }
0x91: {  	s12 =	rddreg [dreg:$0x19]  }
0x92: {  	[tilespmem:s12], [sflag:$0x2] =	stream.indirect_vreg.gather [hbm4b:s4+s2], $0x80, v3, vm0, $0xb8;
	[tilespmem:$0x18100] =	vst v63  }
0x93: {  	s13 =	rddreg [dreg:$0x1a]  }
0x94: {  	[tilespmem:s13], [sflag:$0x2] =	stream.indirect_vreg.gather [hbm4b:s5+s2], $0x80, v3, vm1, $0xb8;
	[tilespmem:$0x18100] =	vst v63  }
0x95: {  	v3 =	vld [tilespmem:$0x50];
	_ =	sdelay $0x4  }
0x96: {  	v53 =	vshrl.u32 v3, $0x3  }
0x97: {  	v4 =	vmul.u32 $0x18, v53  }
0x98: {  	v3 =	vand.u32 $0x7, v3  }
0x99: {  	v3 =	vor.u32 v3, v4  }
0x9a: {  	v4 =	vperm.xlane v3, v0;
	_ =	sdelay $0x1  }
0x9b: {  	v4 =	vadd.s32 v1, v4;
	_ =	sdelay $0x1  }
0x9c: {  	v3 =	vperm.xlane v3, v2;
	_ =	sdelay $0x1  }
0x9d: {  	s12 =	rddreg [dreg:$0x1b];
	v3 =	vadd.s32 v1, v3  }
0x9e: {  	[tilespmem:s12], [sflag:$0x2] =	stream.indirect_vreg.gather [hbm4b:s4+s2], $0x80, v4, vm0, $0xb8;
	[tilespmem:$0x18100] =	vst v63  }
0x9f: {  	s13 =	rddreg [dreg:$0x1c]  }
0xa0: {  	[tilespmem:s13], [sflag:$0x2] =	stream.indirect_vreg.gather [hbm4b:s5+s2], $0x80, v4, vm1, $0xb8;
	[tilespmem:$0x18100] =	vst v63  }
0xa1: {  	s0 =	rddreg [dreg:$0x1d]  }
0xa2: {  	[tilespmem:s0], [sflag:$0x2] =	stream.indirect_vreg.gather [hbm4b:s4+s2], $0x80, v3, vm0, $0xb8;
	[tilespmem:$0x18100] =	vst v63  }
0xa3: {  	s13 =	rddreg [dreg:$0x1e]  }
0xa4: {  	[tilespmem:s13], [sflag:$0x2] =	stream.indirect_vreg.gather [hbm4b:s5+s2], $0x80, v3, vm1, $0xb8;
	[tilespmem:$0x18100] =	vst v63  }
0xa5: {  	v3 =	vld [tilespmem:$0x60];
	_ =	sdelay $0x4  }
0xa6: {  	v54 =	vshrl.u32 v3, $0x3  }
0xa7: {  	v4 =	vmul.u32 $0x18, v54  }
0xa8: {  	v3 =	vand.u32 $0x7, v3  }
0xa9: {  	v3 =	vor.u32 v3, v4  }
0xaa: {  	v4 =	vperm.xlane v3, v0;
	_ =	sdelay $0x1  }
0xab: {  	v4 =	vadd.s32 v1, v4;
	_ =	sdelay $0x1  }
0xac: {  	v3 =	vperm.xlane v3, v2  }
0xad: {  	s12 =	rddreg [dreg:$0x1f]  }
0xae: {  	s13 =	sld [smem:$0x7E5];
	v3 =	vadd.s32 v1, v3  }
0xaf: {  	[tilespmem:s12], [sflag:$0x2] =	stream.indirect_vreg.gather [hbm4b:s4+s2], $0x80, v4, vm0, $0xb8;
	[tilespmem:$0x18100] =	vst v63  }
0xb0: {  	s0 =	sld [smem:$0x7E6]  }
0xb1: {  	[tilespmem:s13], [sflag:$0x2] =	stream.indirect_vreg.gather [hbm4b:s5+s2], $0x80, v4, vm1, $0xb8;
	[tilespmem:$0x18100] =	vst v63  }
0xb2: {  	s13 =	sld [smem:$0x7E7]  }
0xb3: {  	[tilespmem:s0], [sflag:$0x2] =	stream.indirect_vreg.gather [hbm4b:s4+s2], $0x80, v3, vm0, $0xb8;
	[tilespmem:$0x18100] =	vst v63  }
0xb4: {  	_ = 	snop  }
0xb5: {  	[tilespmem:s13], [sflag:$0x2] =	stream.indirect_vreg.gather [hbm4b:s5+s2], $0x80, v3, vm1, $0xb8;
	[tilespmem:$0x18100] =	vst v63  }
0xb6: {  	v3 =	vld [tilespmem:$0x70];
	_ =	sdelay $0x4  }
0xb7: {  	v55 =	vshrl.u32 v3, $0x3  }
0xb8: {  	v4 =	vmul.u32 $0x18, v55  }
0xb9: {  	v3 =	vand.u32 $0x7, v3  }
0xba: {  	v3 =	vor.u32 v3, v4  }
0xbb: {  	v4 =	vperm.xlane v3, v0;
	_ =	sdelay $0x1  }
0xbc: {  	v4 =	vadd.s32 v1, v4;
	_ =	sdelay $0x1  }
0xbd: {  	s12 =	sld [smem:$0x7E8];
	v3 =	vperm.xlane v3, v2;
	_ =	sdelay $0x1  }
0xbe: {  	s13 =	sld [smem:$0x7E9];
	v3 =	vadd.s32 v1, v3  }
0xbf: {  	[tilespmem:s12], [sflag:$0x2] =	stream.indirect_vreg.gather [hbm4b:s4+s2], $0x80, v4, vm0, $0xb8;
	[tilespmem:$0x18100] =	vst v63  }
0xc0: {  	s0 =	sld [smem:$0x7EA]  }
0xc1: {  	[tilespmem:s13], [sflag:$0x2] =	stream.indirect_vreg.gather [hbm4b:s5+s2], $0x80, v4, vm1, $0xb8;
	[tilespmem:$0x18100] =	vst v63  }
0xc2: {  	s13 =	sld [smem:$0x7EB]  }
0xc3: {  	[tilespmem:s0], [sflag:$0x2] =	stream.indirect_vreg.gather [hbm4b:s4+s2], $0x80, v3, vm0, $0xb8;
	[tilespmem:$0x18100] =	vst v63  }
0xc4: {  	_ = 	snop  }
0xc5: {  	[tilespmem:s13], [sflag:$0x2] =	stream.indirect_vreg.gather [hbm4b:s5+s2], $0x80, v3, vm1, $0xb8;
	[tilespmem:$0x18100] =	vst v63  }
0xc6: {  	v3 =	vld [tilespmem:$0x80];
	_ =	sdelay $0x4  }
0xc7: {  	v56 =	vshrl.u32 v3, $0x3  }
0xc8: {  	v4 =	vmul.u32 $0x18, v56  }
0xc9: {  	v3 =	vand.u32 $0x7, v3  }
0xca: {  	v3 =	vor.u32 v3, v4  }
0xcb: {  	v4 =	vperm.xlane v3, v0;
	_ =	sdelay $0x1  }
0xcc: {  	v4 =	vadd.s32 v1, v4;
	_ =	sdelay $0x1  }
0xcd: {  	v3 =	vperm.xlane v3, v2;
	_ =	sdelay $0x1  }
0xce: {  	s13 =	sld [smem:$0x7EC];
	v3 =	vadd.s32 v1, v3  }
0xcf: {  	[tilespmem:s10], [sflag:$0x3] =	stream.indirect_vreg.gather [hbm4b:s4+s2], $0x80, v4, vm0, $0xb8;
	[tilespmem:$0x18100] =	vst v63  }
0xd0: {  	s12 =	sld [smem:$0x7ED]  }
0xd1: {  	[tilespmem:s13], [sflag:$0x3] =	stream.indirect_vreg.gather [hbm4b:s5+s2], $0x80, v4, vm1, $0xb8;
	[tilespmem:$0x18100] =	vst v63  }
0xd2: {  	s13 =	sld [smem:$0x7EE]  }
0xd3: {  	[tilespmem:s12], [sflag:$0x3] =	stream.indirect_vreg.gather [hbm4b:s4+s2], $0x80, v3, vm0, $0xb8;
	[tilespmem:$0x18100] =	vst v63  }
0xd4: {  	_ = 	snop  }
0xd5: {  	[tilespmem:s13], [sflag:$0x3] =	stream.indirect_vreg.gather [hbm4b:s5+s2], $0x80, v3, vm1, $0xb8;
	[tilespmem:$0x18100] =	vst v63  }
0xd6: {  	v3 =	vld [tilespmem:$0x90];
	_ =	sdelay $0x4  }
0xd7: {  	v57 =	vshrl.u32 v3, $0x3  }
0xd8: {  	v4 =	vmul.u32 $0x18, v57  }
0xd9: {  	v3 =	vand.u32 $0x7, v3  }
0xda: {  	v3 =	vor.u32 v3, v4  }
0xdb: {  	v4 =	vperm.xlane v3, v0;
	_ =	sdelay $0x1  }
0xdc: {  	v4 =	vadd.s32 v1, v4;
	_ =	sdelay $0x1  }
0xdd: {  	s12 =	sld [smem:$0x7EF];
	v3 =	vperm.xlane v3, v2;
	_ =	sdelay $0x1  }
0xde: {  	s13 =	sld [smem:$0x7F0];
	v3 =	vadd.s32 v1, v3  }
0xdf: {  	[tilespmem:s12], [sflag:$0x3] =	stream.indirect_vreg.gather [hbm4b:s4+s2], $0x80, v4, vm0, $0xb8;
	[tilespmem:$0x18100] =	vst v63  }
0xe0: {  	s0 =	sld [smem:$0x7F1]  }
0xe1: {  	[tilespmem:s13], [sflag:$0x3] =	stream.indirect_vreg.gather [hbm4b:s5+s2], $0x80, v4, vm1, $0xb8;
	[tilespmem:$0x18100] =	vst v63  }
0xe2: {  	s13 =	sld [smem:$0x7F2]  }
0xe3: {  	[tilespmem:s0], [sflag:$0x3] =	stream.indirect_vreg.gather [hbm4b:s4+s2], $0x80, v3, vm0, $0xb8;
	[tilespmem:$0x18100] =	vst v63  }
0xe4: {  	_ = 	snop  }
0xe5: {  	[tilespmem:s13], [sflag:$0x3] =	stream.indirect_vreg.gather [hbm4b:s5+s2], $0x80, v3, vm1, $0xb8;
	[tilespmem:$0x18100] =	vst v63  }
0xe6: {  	v3 =	vld [tilespmem:$0xA0];
	_ =	sdelay $0x4  }
0xe7: {  	v58 =	vshrl.u32 v3, $0x3  }
0xe8: {  	v4 =	vmul.u32 $0x18, v58  }
0xe9: {  	v3 =	vand.u32 $0x7, v3  }
0xea: {  	v3 =	vor.u32 v3, v4  }
0xeb: {  	v4 =	vperm.xlane v3, v0;
	_ =	sdelay $0x1  }
0xec: {  	v4 =	vadd.s32 v1, v4;
	_ =	sdelay $0x1  }
0xed: {  	s12 =	sld [smem:$0x7F3];
	v3 =	vperm.xlane v3, v2;
	_ =	sdelay $0x1  }
0xee: {  	s13 =	sld [smem:$0x7F4];
	v3 =	vadd.s32 v1, v3  }
0xef: {  	[tilespmem:s12], [sflag:$0x3] =	stream.indirect_vreg.gather [hbm4b:s4+s2], $0x80, v4, vm0, $0xb8;
	[tilespmem:$0x18100] =	vst v63  }
0xf0: {  	s0 =	sld [smem:$0x7F5]  }
0xf1: {  	[tilespmem:s13], [sflag:$0x3] =	stream.indirect_vreg.gather [hbm4b:s5+s2], $0x80, v4, vm1, $0xb8;
	[tilespmem:$0x18100] =	vst v63  }
0xf2: {  	s13 =	sld [smem:$0x7F6]  }
0xf3: {  	[tilespmem:s0], [sflag:$0x3] =	stream.indirect_vreg.gather [hbm4b:s4+s2], $0x80, v3, vm0, $0xb8;
	[tilespmem:$0x18100] =	vst v63  }
0xf4: {  	_ = 	snop  }
0xf5: {  	[tilespmem:s13], [sflag:$0x3] =	stream.indirect_vreg.gather [hbm4b:s5+s2], $0x80, v3, vm1, $0xb8;
	[tilespmem:$0x18100] =	vst v63  }
0xf6: {  	v3 =	vld [tilespmem:$0xB0];
	_ =	sdelay $0x4  }
0xf7: {  	v59 =	vshrl.u32 v3, $0x3  }
0xf8: {  	v4 =	vmul.u32 $0x18, v59  }
0xf9: {  	v3 =	vand.u32 $0x7, v3  }
0xfa: {  	v3 =	vor.u32 v3, v4  }
0xfb: {  	v4 =	vperm.xlane v3, v0;
	_ =	sdelay $0x1  }
0xfc: {  	v4 =	vadd.s32 v1, v4;
	_ =	sdelay $0x1  }
0xfd: {  	s12 =	sld [smem:$0x7F7];
	v3 =	vperm.xlane v3, v2;
	_ =	sdelay $0x1  }
0xfe: {  	s13 =	sld [smem:$0x7F8];
	v3 =	vadd.s32 v1, v3  }
0xff: {  	[tilespmem:s12], [sflag:$0x3] =	stream.indirect_vreg.gather [hbm4b:s4+s2], $0x80, v4, vm0, $0xb8;
	[tilespmem:$0x18100] =	vst v63  }
0x100: {  	s0 =	sld [smem:$0x7F9]  }
0x101: {  	[tilespmem:s13], [sflag:$0x3] =	stream.indirect_vreg.gather [hbm4b:s5+s2], $0x80, v4, vm1, $0xb8;
	[tilespmem:$0x18100] =	vst v63  }
0x102: {  	s13 =	sld [smem:$0x7FA]  }
0x103: {  	[tilespmem:s0], [sflag:$0x3] =	stream.indirect_vreg.gather [hbm4b:s4+s2], $0x80, v3, vm0, $0xb8;
	[tilespmem:$0x18100] =	vst v63  }
0x104: {  	_ = 	snop  }
0x105: {  	[tilespmem:s13], [sflag:$0x3] =	stream.indirect_vreg.gather [hbm4b:s5+s2], $0x80, v3, vm1, $0xb8;
	[tilespmem:$0x18100] =	vst v63  }
0x106: {  	v3 =	vld [tilespmem:$0xC0];
	_ =	sdelay $0x4  }
0x107: {  	v60 =	vshrl.u32 v3, $0x3  }
0x108: {  	v4 =	vmul.u32 $0x18, v60  }
0x109: {  	v3 =	vand.u32 $0x7, v3  }
0x10a: {  	v3 =	vor.u32 v3, v4  }
0x10b: {  	v4 =	vperm.xlane v3, v0;
	_ =	sdelay $0x1  }
0x10c: {  	v4 =	vadd.s32 v1, v4;
	_ =	sdelay $0x1  }
0x10d: {  	v3 =	vperm.xlane v3, v2;
	_ =	sdelay $0x1  }
0x10e: {  	s13 =	sld [smem:$0x7FB];
	v3 =	vadd.s32 v1, v3  }
0x10f: {  	[tilespmem:s11], [sflag:$0x4] =	stream.indirect_vreg.gather [hbm4b:s4+s2], $0x80, v4, vm0, $0xb8;
	[tilespmem:$0x18100] =	vst v63  }
0x110: {  	s12 =	sld [smem:$0x7FC]  }
0x111: {  	[tilespmem:s13], [sflag:$0x4] =	stream.indirect_vreg.gather [hbm4b:s5+s2], $0x80, v4, vm1, $0xb8;
	[tilespmem:$0x18100] =	vst v63  }
0x112: {  	s13 =	sld [smem:$0x7FD]  }
0x113: {  	[tilespmem:s12], [sflag:$0x4] =	stream.indirect_vreg.gather [hbm4b:s4+s2], $0x80, v3, vm0, $0xb8;
	[tilespmem:$0x18100] =	vst v63  }
0x114: {  	_ = 	snop  }
0x115: {  	[tilespmem:s13], [sflag:$0x4] =	stream.indirect_vreg.gather [hbm4b:s5+s2], $0x80, v3, vm1, $0xb8;
	[tilespmem:$0x18100] =	vst v63  }
0x116: {  	v3 =	vld [tilespmem:$0xD0];
	_ =	sdelay $0x4  }
0x117: {  	v61 =	vshrl.u32 v3, $0x3  }
0x118: {  	v4 =	vmul.u32 $0x18, v61  }
0x119: {  	v3 =	vand.u32 $0x7, v3  }
0x11a: {  	v3 =	vor.u32 v3, v4  }
0x11b: {  	v4 =	vperm.xlane v3, v0;
	_ =	sdelay $0x1  }
0x11c: {  	v4 =	vadd.s32 v1, v4;
	_ =	sdelay $0x1  }
0x11d: {  	v3 =	vperm.xlane v3, v2;
	_ =	sdelay $0x1  }
0x11e: {  	s13 =	simm.s32 $0x13900;
	v3 =	vadd.s32 v1, v3  }
0x11f: {  	[tilespmem:s13], [sflag:$0x4] =	stream.indirect_vreg.gather [hbm4b:s4+s2], $0x80, v4, vm0, $0xb8;
	[tilespmem:$0x18100] =	vst v63  }
0x120: {  	s12 =	simm.s32 $0x14100  }
0x121: {  	[tilespmem:s12], [sflag:$0x4] =	stream.indirect_vreg.gather [hbm4b:s5+s2], $0x80, v4, vm1, $0xb8;
	[tilespmem:$0x18100] =	vst v63  }
0x122: {  	_ = 	snop  }
0x123: {  	[tilespmem:s14], [sflag:$0x4] =	stream.indirect_vreg.gather [hbm4b:s4+s2], $0x80, v3, vm0, $0xb8;
	[tilespmem:$0x18100] =	vst v63  }
0x124: {  	_ = 	snop  }
0x125: {  	[tilespmem:s15], [sflag:$0x4] =	stream.indirect_vreg.gather [hbm4b:s5+s2], $0x80, v3, vm1, $0xb8;
	[tilespmem:$0x18100] =	vst v63  }
0x126: {  	v3 =	vld [tilespmem:$0xE0];
	_ =	sdelay $0x4  }
0x127: {  	v62 =	vshrl.u32 v3, $0x3  }
0x128: {  	v4 =	vmul.u32 $0x18, v62  }
0x129: {  	v3 =	vand.u32 $0x7, v3  }
0x12a: {  	v3 =	vor.u32 v3, v4  }
0x12b: {  	v4 =	vperm.xlane v3, v0;
	_ =	sdelay $0x1  }
0x12c: {  	v4 =	vadd.s32 v1, v4;
	_ =	sdelay $0x1  }
0x12d: {  	v3 =	vperm.xlane v3, v2;
	_ =	sdelay $0x1  }
0x12e: {  	v3 =	vadd.s32 v1, v3  }
0x12f: {  	[tilespmem:s16], [sflag:$0x4] =	stream.indirect_vreg.gather [hbm4b:s4+s2], $0x80, v4, vm0, $0xb8;
	[tilespmem:$0x18100] =	vst v63  }
0x130: {  	_ = 	snop  }
0x131: {  	[tilespmem:s17], [sflag:$0x4] =	stream.indirect_vreg.gather [hbm4b:s5+s2], $0x80, v4, vm1, $0xb8;
	[tilespmem:$0x18100] =	vst v63  }
0x132: {  	_ = 	snop  }
0x133: {  	[tilespmem:s18], [sflag:$0x4] =	stream.indirect_vreg.gather [hbm4b:s4+s2], $0x80, v3, vm0, $0xb8;
	[tilespmem:$0x18100] =	vst v63  }
0x134: {  	_ = 	snop  }
0x135: {  	[tilespmem:s19], [sflag:$0x4] =	stream.indirect_vreg.gather [hbm4b:s5+s2], $0x80, v3, vm1, $0xb8;
	[tilespmem:$0x18100] =	vst v63  }
0x136: {  	v3 =	vld [tilespmem:$0xF0];
	_ =	sdelay $0x4  }
0x137: {  	v63 =	vshrl.u32 v3, $0x3  }
0x138: {  	v4 =	vmul.u32 $0x18, v63  }
0x139: {  	v3 =	vand.u32 $0x7, v3  }
0x13a: {  	v3 =	vor.u32 v3, v4  }
0x13b: {  	v4 =	vperm.xlane v3, v0;
	_ =	sdelay $0x1  }
0x13c: {  	v4 =	vadd.s32 v1, v4;
	_ =	sdelay $0x1  }
0x13d: {  	v3 =	vperm.xlane v3, v2;
	_ =	sdelay $0x1  }
0x13e: {  	v3 =	vadd.s32 v1, v3  }
0x13f: {  	[tilespmem:s20], [sflag:$0x4] =	stream.indirect_vreg.gather [hbm4b:s4+s2], $0x80, v4, vm0, $0xb8;
	[tilespmem:$0x18100] =	vst v63  }
0x140: {  	_ = 	snop  }
0x141: {  	[tilespmem:s21], [sflag:$0x4] =	stream.indirect_vreg.gather [hbm4b:s5+s2], $0x80, v4, vm1, $0xb8;
	[tilespmem:$0x18100] =	vst v63  }
0x142: {  	_ = 	snop  }
0x143: {  	[tilespmem:s22], [sflag:$0x4] =	stream.indirect_vreg.gather [hbm4b:s4+s2], $0x80, v3, vm0, $0xb8;
	[tilespmem:$0x18100] =	vst v63  }
0x144: {  	_ = 	snop  }
0x145: {  	[tilespmem:s23], [sflag:$0x4] =	stream.indirect_vreg.gather [hbm4b:s5+s2], $0x80, v3, vm1, $0xb8;
	[tilespmem:$0x18100] =	vst v63  }
0x146: {  	_ =	swait.ge [sflag:s24], $0x6000  }
0x147: {  	[sflag:s24] =	ssyncset.done $0x0  }
0x148: {  	[sflag:s24] =	ssyncadd.s32 $0xFFFFA000  }
0x149: {  	[hbm4b:s3+s2] =	stream.linear.scatter [tilespmem:s8], [sflag:$0x5], $0x6000, $0x38;
	[tilespmem:$0x18100] =	vst v63  }
0x14a: {  	_ =	swait.ge [sflag:s25], $0x6000  }
0x14b: {  	[sflag:s25] =	ssyncset.done $0x0  }
0x14c: {  	s13 =	rddreg [dreg:$0x4];
	[sflag:s25] =	ssyncadd.s32 $0xFFFFA000  }
0x14d: {  	[hbm4b:s13+s2] =	stream.linear.scatter [tilespmem:s9], [sflag:$0x6], $0x6000, $0x38;
	[tilespmem:$0x18100] =	vst v63  }
0x14e: {  	_ =	swait.ge [sflag:s26], $0x6000  }
0x14f: {  	[sflag:s26] =	ssyncset.done $0x0  }
0x150: {  	s12 =	rddreg [dreg:$0x5];
	[sflag:s26] =	ssyncadd.s32 $0xFFFFA000  }
0x151: {  	[hbm4b:s12+s2] =	stream.linear.scatter [tilespmem:s10], [sflag:$0x7], $0x6000, $0x38;
	[tilespmem:$0x18100] =	vst v63  }
0x152: {  	_ =	swait.ge [sflag:s28], $0x6000  }
0x153: {  	[sflag:s28] =	ssyncset.done $0x0  }
0x154: {  	s13 =	rddreg [dreg:$0x6];
	[sflag:s28] =	ssyncadd.s32 $0xFFFFA000  }
0x155: {  	[hbm4b:s13+s2] =	stream.linear.scatter [tilespmem:s11], [sflag:$0x8], $0x6000, $0x38;
	[tilespmem:$0x18100] =	vst v63  }
0x156: {  	_ =	swait.ge [sflag:s29], $0x6000  }
0x157: {  	[sflag:s29] =	ssyncset.done $0x0  }
0x158: {  	[sflag:s29] =	ssyncadd.s32 $0xFFFFA000  }
0x159: {  	_ =	swait.ge [sflag:s30], $0x6000  }
0x15a: {  	[sflag:s30] =	ssyncset.done $0x0  }
0x15b: {  	[sflag:s30] =	ssyncadd.s32 $0xFFFFA000  }
0x15c: {  	p0 =	sne.s32 s6, $0x1;
	_ =	swait.ge [sflag:s31], $0x6000  }
.Ltmp0:
0x15d: {  	[sflag:s31] =	ssyncset.done $0x0;
	(pc) =	sbr.rel @p0 .LBB2_1-.Ltmp0, $4  }
0x15e: {  	[sflag:s31] =	ssyncadd.s32 $0xFFFFA000  }
0x15f: {  	_ =	swait.ge [sflag:s1], $0x6000  }
0x160: {  	[sflag:s1] =	ssyncset.done $0x0  }
0x161: {  	s6 =	sadd.s32 $0xFFFFFFFF, s6;
	[sflag:s1] =	ssyncadd.s32 $0xFFFFA000  }
0x162: {  	_ =	sfence.sel $0x180000  }
0x163: {  	[bflag:$0x0] =	sbarrier.arrive $0xFFFF  }
0x164: {  	_ =	strace $0x90000047  }
0x165: {  	s0 =	stileid.u32;
	[bflag:$0x2] =	sbarrier.arrive $0xFFFF  }
0x166: {  	p0 =	sne.s32 s0, $0x0;
	s0 =	rddreg [dreg:$0x2]  }
0x167: {  	s0 =	sadd.s32 @!p0 $0x100000, s0  }
0x168: {  	[sflag:s0] =	ssyncadd.tile.s32 @!p0 $0x1;
	_ =	shalt  }
.Lfunc_end2:
_tile_overlayer_lowered:
.L_overlay_start_2:
0x169: {  	(tag) =	ssettag $0x2  }
0x16a: {  	s0 =	rddreg [dreg:$0x0];
	s2 =	stileid.u32  }
0x16b: {  	s1 =	rddreg [dreg:$0x1];
	p0 =	sne.s32 s2, $0x0  }
0x16c: {  	s3 =	rddreg [dreg:$0x2];
	[bflag:$0x3] =	sbarrier.arrive $0xFFFF;
	s2 =	simm.s32 @!p0 $0x1C09  }
0x16d: {  	[timem:s3], [sflag:s2] =	dma.local @!p0 [hbm:s0], s1  }
0x16e: {  	s0 =	simm.s32 @!p0 $0x9  }
0x16f: {  	_ =	swait.ge @!p0 [sflag:s0], s1  }
0x170: {  	s1 =	ssub.s32 @!p0 $0x0, s1;
	[sflag:s0] =	ssyncset.done @!p0 $0x0  }
0x171: {  	[sflag:s0] =	ssyncadd.s32 @!p0 s1  }
0x172: {  	[bflag:$0x3] =	sbarrier.arrive $0xFFFF  }
0x173: {  	_ =	shalt  }

</sc_bundles>
